<compile_context>
chip_gen: v7x
topology: tpu7x:2x2x1
jax: 0.10.2.dev20260603
libtpu: 0.0.44.dev20260713+nightly
codegen_flags: <defaults>
</compile_context>

<pallas_src>
import functools

import jax
import jax.numpy as jnp
from jax import lax
from jax.experimental import pallas as pl
from jax.experimental.pallas import tpu as pltpu
from jax.experimental.pallas import tpu_sc as plsc

_info = plsc.get_sparse_core_info()
_NC, _NS = _info.num_cores, _info.num_subcores
_NW = _NC * _NS
_C = 128
_NBUF = 4
_AHEAD = 2


@functools.partial(jax.jit, static_argnames=("n",))
def _gather(table, idx, n):
    d = table.shape[1]
    n_chunks = -(-n // (_NW * _C))
    per_w = n_chunks * _C
    full_w = n // per_w
    rem = n - full_w * per_w
    fc, tr = rem // _C, rem % _C
    mesh = plsc.VectorSubcoreMesh(core_axis_name="c", subcore_axis_name="s")

    @functools.partial(
        pl.kernel,
        mesh=mesh,
        out_type=jax.ShapeDtypeStruct((n, d), jnp.float32),
        scratch_types=[
            pltpu.VMEM_SHARED(table.shape, jnp.float32),
            pltpu.VMEM((per_w,), jnp.int32),
            pltpu.VMEM((_C, d), jnp.float32),
            pltpu.VMEM((_C, d), jnp.float32),
            pltpu.VMEM((_C, d), jnp.float32),
            pltpu.VMEM((_C, d), jnp.float32),
            pltpu.SemaphoreType.DMA,
            pltpu.SemaphoreType.DMA,
            pltpu.SemaphoreType.DMA,
            pltpu.SemaphoreType.DMA,
            pltpu.SemaphoreType.DMA,
            pltpu.SemaphoreType.DMA,
            pltpu.SemaphoreType.DMA,
            pltpu.SemaphoreType.DMA,
        ],
    )
    def k(table_hbm, idx_hbm, out_hbm, table_v, idx_v,
          buf0, buf1, buf2, buf3, gs0, gs1, gs2, gs3, ws0, ws1, ws2, ws3):
        sid = lax.axis_index("s")
        wid = sid * _NC + lax.axis_index("c")
        base = wid * per_w

        @pl.when(sid == 0)
        def _copy_table():
            pltpu.sync_copy(table_hbm, table_v)

        @pl.when(wid < full_w)
        def _copy_idx_full():
            pltpu.sync_copy(idx_hbm.at[pl.ds(base, per_w)], idx_v)

        if rem > 0:
            @pl.when(wid == full_w)
            def _copy_idx_partial():
                pltpu.sync_copy(
                    idx_hbm.at[pl.ds(base, rem)], idx_v.at[pl.ds(0, rem)]
                )

        plsc.subcore_barrier()

        bufs = (buf0, buf1, buf2, buf3)
        gsems = (gs0, gs1, gs2, gs3)
        wsems = (ws0, ws1, ws2, ws3)

        def gather_chunk(j, b):
            return pltpu.async_copy(
                table_v.at[idx_v.at[pl.ds(j * _C, _C)]], bufs[b], gsems[b]
            )

        @pl.when(wid < full_w)
        def _full_slab():
            gathers = [None] * n_chunks
            writes = [None] * _NBUF
            for m in range(min(_AHEAD + 1, n_chunks)):
                gathers[m] = gather_chunk(m, m % _NBUF)
            for j in range(n_chunks):
                gathers[j].wait()
                w = pltpu.async_copy(
                    bufs[j % _NBUF],
                    out_hbm.at[pl.ds(base + j * _C, _C)],
                    wsems[j % _NBUF],
                )
                nxt = j + _AHEAD + 1
                if nxt < n_chunks:
                    b = nxt % _NBUF
                    if writes[b] is not None:
                        writes[b].wait()
                    gathers[nxt] = gather_chunk(nxt, b)
                writes[j % _NBUF] = w
            for b in range(_NBUF):
                if writes[b] is not None:
                    writes[b].wait()

        if rem > 0:
            @pl.when(wid == full_w)
            def _partial_slab():
                for j in range(fc):
                    gather_chunk(j, j % _NBUF).wait()
                    pltpu.sync_copy(
                        bufs[j % _NBUF], out_hbm.at[pl.ds(base + j * _C, _C)]
                    )
                if tr > 0:
                    pltpu.async_copy(
                        table_v.at[idx_v.at[pl.ds(fc * _C, tr)]],
                        bufs[fc % _NBUF].at[pl.ds(0, tr)],
                        gsems[fc % _NBUF],
                    ).wait()
                    pltpu.sync_copy(
                        bufs[fc % _NBUF].at[pl.ds(0, tr)],
                        out_hbm.at[pl.ds(base + fc * _C, tr)],
                    )

    return k(table, idx)


def kernel(atomic_numbers, embedding_weight):
    n = atomic_numbers.shape[0]
    idx = atomic_numbers.astype(jnp.int32)
    return _gather(embedding_weight, idx, n)

# --- scband reference (transcript-rebuilt; emitter-appended) ---
"""Pipeline reference for scband-atom-embedding-21191368639011 (READ-ONLY COPY).

The authoritative reference and input builder live on the scoring server;
editing this copy changes nothing except your own understanding.
"""

import jax, jax.numpy as jnp
import numpy as np

EMBED_DIMS = 128
MAX_ATOMIC_NUMBER = 100
N_ATOMS = 100000

def setup_inputs(seed: int = 0) -> dict:
    key = jax.random.key(seed)
    k_idx, k_tab = jax.random.split(key)
    atomic_numbers = jax.random.randint(k_idx, (N_ATOMS,), 0, MAX_ATOMIC_NUMBER, dtype=jnp.int64 if jax.config.read('jax_enable_x64') else jnp.int32)
    # nn.Embedding default init: N(0, 1)
    embedding_weight = jax.random.normal(k_tab, (MAX_ATOMIC_NUMBER, EMBED_DIMS), dtype=jnp.float32)
    return {"atomic_numbers": atomic_numbers, "embedding_weight": embedding_weight}

def reference(atomic_numbers, embedding_weight):
    # AtomEmbedding.forward: atom_embeddings = self.embedding(atomic_numbers)
    atom_embeddings = jnp.take(embedding_weight, atomic_numbers, axis=0)
    return atom_embeddings

if __name__ == "__main__":
    import jax
    _d = setup_inputs()
    print(jax.jit(kernel)(*tuple(_d.values())))

</pallas_src>

<mosaic_0001>
#map = affine_map<(d0, d1) -> (0, 0)>
#map1 = affine_map<(d0, d1) -> (0)>
module attributes {stable_mosaic.version = 14 : i64} {
  func.func @k(%arg0: i32, %arg1: i32, %arg2: memref<100x128xf32, #tpu.memory_space<hbm>>, %arg3: memref<100000xi32, #tpu.memory_space<hbm>>, %arg4: memref<100000x128xf32, #tpu.memory_space<hbm>>, %arg5: memref<100x128xf32, #tpu.memory_space<vmem_shared>>, %arg6: memref<3200xi32, #tpu.memory_space<vmem>>, %arg7: memref<128x128xf32, #tpu.memory_space<vmem>>, %arg8: memref<128x128xf32, #tpu.memory_space<vmem>>, %arg9: memref<128x128xf32, #tpu.memory_space<vmem>>, %arg10: memref<128x128xf32, #tpu.memory_space<vmem>>, %arg11: memref<!tpu.dma_semaphore, #tpu.memory_space<semaphore_mem>>, %arg12: memref<!tpu.dma_semaphore, #tpu.memory_space<semaphore_mem>>, %arg13: memref<!tpu.dma_semaphore, #tpu.memory_space<semaphore_mem>>, %arg14: memref<!tpu.dma_semaphore, #tpu.memory_space<semaphore_mem>>, %arg15: memref<!tpu.dma_semaphore, #tpu.memory_space<semaphore_mem>>, %arg16: memref<!tpu.dma_semaphore, #tpu.memory_space<semaphore_mem>>, %arg17: memref<!tpu.dma_semaphore, #tpu.memory_space<semaphore_mem>>, %arg18: memref<!tpu.dma_semaphore, #tpu.memory_space<semaphore_mem>>) attributes {dimension_semantics = [#tpu.dimension_semantics<core_parallel>, #tpu.dimension_semantics<subcore_parallel>], iteration_bounds = array<i64: 2, 16>, scalar_prefetch = 0 : i64, scratch_operands = 14 : i64, tpu.core_type = #tpu.core_type<sc_vector_subcore>, window_params = [{transform_indices = #map}, {transform_indices = #map1}, {transform_indices = #map}]} {
    %mul3A = arith.constant 2 : i32
    %mul3A_0 = arith.muli %arg1, %mul3A : i32
    %add3A = arith.addi %mul3A_0, %arg0 : i32
    %mul3A_1 = arith.constant 3200 : i32
    %mul3A_2 = arith.muli %add3A, %mul3A_1 : i32
    %eq3A = arith.constant 0 : i32
    %eq3A_3 = arith.cmpi eq, %arg1, %eq3A : i32
    %convert_element_type3A = arith.extui %eq3A_3 : i1 to i32
    %cond3A = arith.constant 0 : i32
    %cond3A_4 = arith.cmpi ne, %convert_element_type3A, %cond3A : i32
    scf.if %cond3A_4 {
      "tpu.region"() ({
        %run_scoped3A = tpu.sem_alloc : memref<!tpu.dma_semaphore, #tpu.memory_space<semaphore_mem>>
        tpu.enqueue_dma source(%arg2 : memref<100x128xf32, #tpu.memory_space<hbm>>) target(%arg5 : memref<100x128xf32, #tpu.memory_space<vmem_shared>>) target_semaphore(%run_scoped3A : memref<!tpu.dma_semaphore, #tpu.memory_space<semaphore_mem>>)
        tpu.wait_dma2 semaphore(%run_scoped3A : memref<!tpu.dma_semaphore, #tpu.memory_space<semaphore_mem>>) src(%arg2 : memref<100x128xf32, #tpu.memory_space<hbm>>) dst(%arg5 : memref<100x128xf32, #tpu.memory_space<vmem_shared>>)
        tpu.yield
      }) : () -> ()
    } else {
    }
    %lt3A = arith.constant 31 : i32
    %lt3A_5 = arith.cmpi slt, %add3A, %lt3A : i32
    %convert_element_type3A_6 = arith.extui %lt3A_5 : i1 to i32
    %cond3A_7 = arith.constant 0 : i32
    %cond3A_8 = arith.cmpi ne, %convert_element_type3A_6, %cond3A_7 : i32
    scf.if %cond3A_8 {
      "tpu.region"() ({
        %run_scoped3A = tpu.sem_alloc : memref<!tpu.dma_semaphore, #tpu.memory_space<semaphore_mem>>
        %dma_start3A = tpu.memref_slice %arg3[%mul3A_2] : memref<100000xi32, #tpu.memory_space<hbm>> -> memref<3200xi32, #tpu.memory_space<hbm>>
        %dma_start3A_24 = tpu.memref_slice %arg3[%mul3A_2] : memref<100000xi32, #tpu.memory_space<hbm>> -> memref<3200xi32, #tpu.memory_space<hbm>>
        tpu.enqueue_dma source(%dma_start3A_24 : memref<3200xi32, #tpu.memory_space<hbm>>) target(%arg6 : memref<3200xi32, #tpu.memory_space<vmem>>) target_semaphore(%run_scoped3A : memref<!tpu.dma_semaphore, #tpu.memory_space<semaphore_mem>>)
        %dma_wait3A = tpu.memref_slice %arg3[%mul3A_2] : memref<100000xi32, #tpu.memory_space<hbm>> -> memref<3200xi32, #tpu.memory_space<hbm>>
        %dma_wait3A_25 = tpu.memref_slice %arg3[%mul3A_2] : memref<100000xi32, #tpu.memory_space<hbm>> -> memref<3200xi32, #tpu.memory_space<hbm>>
        tpu.wait_dma2 semaphore(%run_scoped3A : memref<!tpu.dma_semaphore, #tpu.memory_space<semaphore_mem>>) src(%dma_wait3A_25 : memref<3200xi32, #tpu.memory_space<hbm>>) dst(%arg6 : memref<3200xi32, #tpu.memory_space<vmem>>)
        tpu.yield
      }) : () -> ()
    } else {
    }
    %eq3A_9 = arith.constant 31 : i32
    %eq3A_10 = arith.cmpi eq, %add3A, %eq3A_9 : i32
    %convert_element_type3A_11 = arith.extui %eq3A_10 : i1 to i32
    %cond3A_12 = arith.constant 0 : i32
    %cond3A_13 = arith.cmpi ne, %convert_element_type3A_11, %cond3A_12 : i32
    scf.if %cond3A_13 {
      "tpu.region"() ({
        %run_scoped3A = tpu.sem_alloc : memref<!tpu.dma_semaphore, #tpu.memory_space<semaphore_mem>>
        %dma_start3A = arith.constant 0 : i32
        %dma_start3A_24 = tpu.memref_slice %arg6[%dma_start3A] : memref<3200xi32, #tpu.memory_space<vmem>> -> memref<800xi32, #tpu.memory_space<vmem>>
        %dma_start3A_25 = tpu.memref_slice %arg3[%mul3A_2] : memref<100000xi32, #tpu.memory_space<hbm>> -> memref<800xi32, #tpu.memory_space<hbm>>
        %dma_start3A_26 = arith.constant 0 : i32
        %dma_start3A_27 = tpu.memref_slice %arg6[%dma_start3A_26] : memref<3200xi32, #tpu.memory_space<vmem>> -> memref<800xi32, #tpu.memory_space<vmem>>
        %dma_start3A_28 = tpu.memref_slice %arg3[%mul3A_2] : memref<100000xi32, #tpu.memory_space<hbm>> -> memref<800xi32, #tpu.memory_space<hbm>>
        tpu.enqueue_dma source(%dma_start3A_28 : memref<800xi32, #tpu.memory_space<hbm>>) target(%dma_start3A_27 : memref<800xi32, #tpu.memory_space<vmem>>) target_semaphore(%run_scoped3A : memref<!tpu.dma_semaphore, #tpu.memory_space<semaphore_mem>>)
        %dma_wait3A = arith.constant 0 : i32
        %dma_wait3A_29 = tpu.memref_slice %arg6[%dma_wait3A] : memref<3200xi32, #tpu.memory_space<vmem>> -> memref<800xi32, #tpu.memory_space<vmem>>
        %dma_wait3A_30 = tpu.memref_slice %arg3[%mul3A_2] : memref<100000xi32, #tpu.memory_space<hbm>> -> memref<800xi32, #tpu.memory_space<hbm>>
        %dma_wait3A_31 = arith.constant 0 : i32
        %dma_wait3A_32 = tpu.memref_slice %arg6[%dma_wait3A_31] : memref<3200xi32, #tpu.memory_space<vmem>> -> memref<800xi32, #tpu.memory_space<vmem>>
        %dma_wait3A_33 = tpu.memref_slice %arg3[%mul3A_2] : memref<100000xi32, #tpu.memory_space<hbm>> -> memref<800xi32, #tpu.memory_space<hbm>>
        tpu.wait_dma2 semaphore(%run_scoped3A : memref<!tpu.dma_semaphore, #tpu.memory_space<semaphore_mem>>) src(%dma_wait3A_33 : memref<800xi32, #tpu.memory_space<hbm>>) dst(%dma_wait3A_32 : memref<800xi32, #tpu.memory_space<vmem>>)
        tpu.yield
      }) : () -> ()
    } else {
    }
    %barrier3A = arith.constant 0 : index
    tpu.barrier barrier_id(%barrier3A)
    %lt3A_14 = arith.constant 31 : i32
    %lt3A_15 = arith.cmpi slt, %add3A, %lt3A_14 : i32
    %convert_element_type3A_16 = arith.extui %lt3A_15 : i1 to i32
    %cond3A_17 = arith.constant 0 : i32
    %cond3A_18 = arith.cmpi ne, %convert_element_type3A_16, %cond3A_17 : i32
    scf.if %cond3A_18 {
      %dma_start3A = arith.constant 0 : i32
      %dma_start3A_24 = tpu.memref_slice %arg6[%dma_start3A] : memref<3200xi32, #tpu.memory_space<vmem>> -> memref<128xi32, #tpu.memory_space<vmem>>
      %dma_start3A_25 = arith.constant 0 : i32
      %dma_start3A_26 = arith.constant 0 : i32
      %dma_start3A_27 = tpu.memref_slice %arg5[%dma_start3A_25, %dma_start3A_26] : memref<100x128xf32, #tpu.memory_space<vmem_shared>> -> memref<100x128xf32, #tpu.memory_space<vmem_shared>>
      tpu.enqueue_indirect_dma source(%dma_start3A_27 : memref<100x128xf32, #tpu.memory_space<vmem_shared>>) target(%arg7 : memref<128x128xf32, #tpu.memory_space<vmem>>) offsets(%dma_start3A_24 : memref<128xi32, #tpu.memory_space<vmem>>) semaphore(%arg11 : memref<!tpu.dma_semaphore, #tpu.memory_space<semaphore_mem>>)
      %dma_start3A_28 = arith.constant 128 : i32
      %dma_start3A_29 = tpu.memref_slice %arg6[%dma_start3A_28] : memref<3200xi32, #tpu.memory_space<vmem>> -> memref<128xi32, #tpu.memory_space<vmem>>
      %dma_start3A_30 = arith.constant 0 : i32
      %dma_start3A_31 = arith.constant 0 : i32
      %dma_start3A_32 = tpu.memref_slice %arg5[%dma_start3A_30, %dma_start3A_31] : memref<100x128xf32, #tpu.memory_space<vmem_shared>> -> memref<100x128xf32, #tpu.memory_space<vmem_shared>>
      tpu.enqueue_indirect_dma source(%dma_start3A_32 : memref<100x128xf32, #tpu.memory_space<vmem_shared>>) target(%arg8 : memref<128x128xf32, #tpu.memory_space<vmem>>) offsets(%dma_start3A_29 : memref<128xi32, #tpu.memory_space<vmem>>) semaphore(%arg12 : memref<!tpu.dma_semaphore, #tpu.memory_space<semaphore_mem>>)
      %dma_start3A_33 = arith.constant 256 : i32
      %dma_start3A_34 = tpu.memref_slice %arg6[%dma_start3A_33] : memref<3200xi32, #tpu.memory_space<vmem>> -> memref<128xi32, #tpu.memory_space<vmem>>
      %dma_start3A_35 = arith.constant 0 : i32
      %dma_start3A_36 = arith.constant 0 : i32
      %dma_start3A_37 = tpu.memref_slice %arg5[%dma_start3A_35, %dma_start3A_36] : memref<100x128xf32, #tpu.memory_space<vmem_shared>> -> memref<100x128xf32, #tpu.memory_space<vmem_shared>>
      tpu.enqueue_indirect_dma source(%dma_start3A_37 : memref<100x128xf32, #tpu.memory_space<vmem_shared>>) target(%arg9 : memref<128x128xf32, #tpu.memory_space<vmem>>) offsets(%dma_start3A_34 : memref<128xi32, #tpu.memory_space<vmem>>) semaphore(%arg13 : memref<!tpu.dma_semaphore, #tpu.memory_space<semaphore_mem>>)
      %dma_wait3A = arith.constant 0 : i32
      %dma_wait3A_38 = tpu.memref_slice %arg6[%dma_wait3A] : memref<3200xi32, #tpu.memory_space<vmem>> -> memref<128xi32, #tpu.memory_space<vmem>>
      %dma_wait3A_39 = arith.constant 0 : i32
      %dma_wait3A_40 = arith.constant 0 : i32
      %dma_wait3A_41 = tpu.memref_slice %arg5[%dma_wait3A_39, %dma_wait3A_40] : memref<100x128xf32, #tpu.memory_space<vmem_shared>> -> memref<100x128xf32, #tpu.memory_space<vmem_shared>>
      tpu.wait_indirect_dma semaphore(%arg11 : memref<!tpu.dma_semaphore, #tpu.memory_space<semaphore_mem>>) src(%dma_wait3A_41 : memref<100x128xf32, #tpu.memory_space<vmem_shared>>) dst(%arg7 : memref<128x128xf32, #tpu.memory_space<vmem>>)
      %add3A_42 = arith.constant 0 : i32
      %add3A_43 = arith.addi %mul3A_2, %add3A_42 : i32
      %dma_start3A_44 = arith.constant 0 : i32
      %dma_start3A_45 = tpu.memref_slice %arg4[%add3A_43, %dma_start3A_44] : memref<100000x128xf32, #tpu.memory_space<hbm>> -> memref<128x128xf32, #tpu.memory_space<hbm>>
      %dma_start3A_46 = arith.constant 0 : i32
      %dma_start3A_47 = tpu.memref_slice %arg4[%add3A_43, %dma_start3A_46] : memref<100000x128xf32, #tpu.memory_space<hbm>> -> memref<128x128xf32, #tpu.memory_space<hbm>>
      tpu.enqueue_dma source(%arg7 : memref<128x128xf32, #tpu.memory_space<vmem>>) target(%dma_start3A_47 : memref<128x128xf32, #tpu.memory_space<hbm>>) target_semaphore(%arg15 : memref<!tpu.dma_semaphore, #tpu.memory_space<semaphore_mem>>)
      %dma_start3A_48 = arith.constant 384 : i32
      %dma_start3A_49 = tpu.memref_slice %arg6[%dma_start3A_48] : memref<3200xi32, #tpu.memory_space<vmem>> -> memref<128xi32, #tpu.memory_space<vmem>>
      %dma_start3A_50 = arith.constant 0 : i32
      %dma_start3A_51 = arith.constant 0 : i32
      %dma_start3A_52 = tpu.memref_slice %arg5[%dma_start3A_50, %dma_start3A_51] : memref<100x128xf32, #tpu.memory_space<vmem_shared>> -> memref<100x128xf32, #tpu.memory_space<vmem_shared>>
      tpu.enqueue_indirect_dma source(%dma_start3A_52 : memref<100x128xf32, #tpu.memory_space<vmem_shared>>) target(%arg10 : memref<128x128xf32, #tpu.memory_space<vmem>>) offsets(%dma_start3A_49 : memref<128xi32, #tpu.memory_space<vmem>>) semaphore(%arg14 : memref<!tpu.dma_semaphore, #tpu.memory_space<semaphore_mem>>)
      %dma_wait3A_53 = arith.constant 128 : i32
      %dma_wait3A_54 = tpu.memref_slice %arg6[%dma_wait3A_53] : memref<3200xi32, #tpu.memory_space<vmem>> -> memref<128xi32, #tpu.memory_space<vmem>>
      %dma_wait3A_55 = arith.constant 0 : i32
      %dma_wait3A_56 = arith.constant 0 : i32
      %dma_wait3A_57 = tpu.memref_slice %arg5[%dma_wait3A_55, %dma_wait3A_56] : memref<100x128xf32, #tpu.memory_space<vmem_shared>> -> memref<100x128xf32, #tpu.memory_space<vmem_shared>>
      tpu.wait_indirect_dma semaphore(%arg12 : memref<!tpu.dma_semaphore, #tpu.memory_space<semaphore_mem>>) src(%dma_wait3A_57 : memref<100x128xf32, #tpu.memory_space<vmem_shared>>) dst(%arg8 : memref<128x128xf32, #tpu.memory_space<vmem>>)
      %add3A_58 = arith.constant 128 : i32
      %add3A_59 = arith.addi %mul3A_2, %add3A_58 : i32
      %dma_start3A_60 = arith.constant 0 : i32
      %dma_start3A_61 = tpu.memref_slice %arg4[%add3A_59, %dma_start3A_60] : memref<100000x128xf32, #tpu.memory_space<hbm>> -> memref<128x128xf32, #tpu.memory_space<hbm>>
      %dma_start3A_62 = arith.constant 0 : i32
      %dma_start3A_63 = tpu.memref_slice %arg4[%add3A_59, %dma_start3A_62] : memref<100000x128xf32, #tpu.memory_space<hbm>> -> memref<128x128xf32, #tpu.memory_space<hbm>>
      tpu.enqueue_dma source(%arg8 : memref<128x128xf32, #tpu.memory_space<vmem>>) target(%dma_start3A_63 : memref<128x128xf32, #tpu.memory_space<hbm>>) target_semaphore(%arg16 : memref<!tpu.dma_semaphore, #tpu.memory_space<semaphore_mem>>)
      %dma_wait3A_64 = arith.constant 0 : i32
      %dma_wait3A_65 = tpu.memref_slice %arg4[%add3A_43, %dma_wait3A_64] : memref<100000x128xf32, #tpu.memory_space<hbm>> -> memref<128x128xf32, #tpu.memory_space<hbm>>
      %dma_wait3A_66 = arith.constant 0 : i32
      %dma_wait3A_67 = tpu.memref_slice %arg4[%add3A_43, %dma_wait3A_66] : memref<100000x128xf32, #tpu.memory_space<hbm>> -> memref<128x128xf32, #tpu.memory_space<hbm>>
      tpu.wait_dma2 semaphore(%arg15 : memref<!tpu.dma_semaphore, #tpu.memory_space<semaphore_mem>>) src(%arg7 : memref<128x128xf32, #tpu.memory_space<vmem>>) dst(%dma_wait3A_67 : memref<128x128xf32, #tpu.memory_space<hbm>>)
      %dma_start3A_68 = arith.constant 512 : i32
      %dma_start3A_69 = tpu.memref_slice %arg6[%dma_start3A_68] : memref<3200xi32, #tpu.memory_space<vmem>> -> memref<128xi32, #tpu.memory_space<vmem>>
      %dma_start3A_70 = arith.constant 0 : i32
      %dma_start3A_71 = arith.constant 0 : i32
      %dma_start3A_72 = tpu.memref_slice %arg5[%dma_start3A_70, %dma_start3A_71] : memref<100x128xf32, #tpu.memory_space<vmem_shared>> -> memref<100x128xf32, #tpu.memory_space<vmem_shared>>
      tpu.enqueue_indirect_dma source(%dma_start3A_72 : memref<100x128xf32, #tpu.memory_space<vmem_shared>>) target(%arg7 : memref<128x128xf32, #tpu.memory_space<vmem>>) offsets(%dma_start3A_69 : memref<128xi32, #tpu.memory_space<vmem>>) semaphore(%arg11 : memref<!tpu.dma_semaphore, #tpu.memory_space<semaphore_mem>>)
      %dma_wait3A_73 = arith.constant 256 : i32
      %dma_wait3A_74 = tpu.memref_slice %arg6[%dma_wait3A_73] : memref<3200xi32, #tpu.memory_space<vmem>> -> memref<128xi32, #tpu.memory_space<vmem>>
      %dma_wait3A_75 = arith.constant 0 : i32
      %dma_wait3A_76 = arith.constant 0 : i32
      %dma_wait3A_77 = tpu.memref_slice %arg5[%dma_wait3A_75, %dma_wait3A_76] : memref<100x128xf32, #tpu.memory_space<vmem_shared>> -> memref<100x128xf32, #tpu.memory_space<vmem_shared>>
      tpu.wait_indirect_dma semaphore(%arg13 : memref<!tpu.dma_semaphore, #tpu.memory_space<semaphore_mem>>) src(%dma_wait3A_77 : memref<100x128xf32, #tpu.memory_space<vmem_shared>>) dst(%arg9 : memref<128x128xf32, #tpu.memory_space<vmem>>)
      %add3A_78 = arith.constant 256 : i32
      %add3A_79 = arith.addi %mul3A_2, %add3A_78 : i32
      %dma_start3A_80 = arith.constant 0 : i32
      %dma_start3A_81 = tpu.memref_slice %arg4[%add3A_79, %dma_start3A_80] : memref<100000x128xf32, #tpu.memory_space<hbm>> -> memref<128x128xf32, #tpu.memory_space<hbm>>
      %dma_start3A_82 = arith.constant 0 : i32
      %dma_start3A_83 = tpu.memref_slice %arg4[%add3A_79, %dma_start3A_82] : memref<100000x128xf32, #tpu.memory_space<hbm>> -> memref<128x128xf32, #tpu.memory_space<hbm>>
      tpu.enqueue_dma source(%arg9 : memref<128x128xf32, #tpu.memory_space<vmem>>) target(%dma_start3A_83 : memref<128x128xf32, #tpu.memory_space<hbm>>) target_semaphore(%arg17 : memref<!tpu.dma_semaphore, #tpu.memory_space<semaphore_mem>>)
      %dma_wait3A_84 = arith.constant 0 : i32
      %dma_wait3A_85 = tpu.memref_slice %arg4[%add3A_59, %dma_wait3A_84] : memref<100000x128xf32, #tpu.memory_space<hbm>> -> memref<128x128xf32, #tpu.memory_space<hbm>>
      %dma_wait3A_86 = arith.constant 0 : i32
      %dma_wait3A_87 = tpu.memref_slice %arg4[%add3A_59, %dma_wait3A_86] : memref<100000x128xf32, #tpu.memory_space<hbm>> -> memref<128x128xf32, #tpu.memory_space<hbm>>
      tpu.wait_dma2 semaphore(%arg16 : memref<!tpu.dma_semaphore, #tpu.memory_space<semaphore_mem>>) src(%arg8 : memref<128x128xf32, #tpu.memory_space<vmem>>) dst(%dma_wait3A_87 : memref<128x128xf32, #tpu.memory_space<hbm>>)
      %dma_start3A_88 = arith.constant 640 : i32
      %dma_start3A_89 = tpu.memref_slice %arg6[%dma_start3A_88] : memref<3200xi32, #tpu.memory_space<vmem>> -> memref<128xi32, #tpu.memory_space<vmem>>
      %dma_start3A_90 = arith.constant 0 : i32
      %dma_start3A_91 = arith.constant 0 : i32
      %dma_start3A_92 = tpu.memref_slice %arg5[%dma_start3A_90, %dma_start3A_91] : memref<100x128xf32, #tpu.memory_space<vmem_shared>> -> memref<100x128xf32, #tpu.memory_space<vmem_shared>>
      tpu.enqueue_indirect_dma source(%dma_start3A_92 : memref<100x128xf32, #tpu.memory_space<vmem_shared>>) target(%arg8 : memref<128x128xf32, #tpu.memory_space<vmem>>) offsets(%dma_start3A_89 : memref<128xi32, #tpu.memory_space<vmem>>) semaphore(%arg12 : memref<!tpu.dma_semaphore, #tpu.memory_space<semaphore_mem>>)
      %dma_wait3A_93 = arith.constant 384 : i32
      %dma_wait3A_94 = tpu.memref_slice %arg6[%dma_wait3A_93] : memref<3200xi32, #tpu.memory_space<vmem>> -> memref<128xi32, #tpu.memory_space<vmem>>
      %dma_wait3A_95 = arith.constant 0 : i32
      %dma_wait3A_96 = arith.constant 0 : i32
      %dma_wait3A_97 = tpu.memref_slice %arg5[%dma_wait3A_95, %dma_wait3A_96] : memref<100x128xf32, #tpu.memory_space<vmem_shared>> -> memref<100x128xf32, #tpu.memory_space<vmem_shared>>
      tpu.wait_indirect_dma semaphore(%arg14 : memref<!tpu.dma_semaphore, #tpu.memory_space<semaphore_mem>>) src(%dma_wait3A_97 : memref<100x128xf32, #tpu.memory_space<vmem_shared>>) dst(%arg10 : memref<128x128xf32, #tpu.memory_space<vmem>>)
      %add3A_98 = arith.constant 384 : i32
      %add3A_99 = arith.addi %mul3A_2, %add3A_98 : i32
      %dma_start3A_100 = arith.constant 0 : i32
      %dma_start3A_101 = tpu.memref_slice %arg4[%add3A_99, %dma_start3A_100] : memref<100000x128xf32, #tpu.memory_space<hbm>> -> memref<128x128xf32, #tpu.memory_space<hbm>>
      %dma_start3A_102 = arith.constant 0 : i32
      %dma_start3A_103 = tpu.memref_slice %arg4[%add3A_99, %dma_start3A_102] : memref<100000x128xf32, #tpu.memory_space<hbm>> -> memref<128x128xf32, #tpu.memory_space<hbm>>
      tpu.enqueue_dma source(%arg10 : memref<128x128xf32, #tpu.memory_space<vmem>>) target(%dma_start3A_103 : memref<128x128xf32, #tpu.memory_space<hbm>>) target_semaphore(%arg18 : memref<!tpu.dma_semaphore, #tpu.memory_space<semaphore_mem>>)
      %dma_wait3A_104 = arith.constant 0 : i32
      %dma_wait3A_105 = tpu.memref_slice %arg4[%add3A_79, %dma_wait3A_104] : memref<100000x128xf32, #tpu.memory_space<hbm>> -> memref<128x128xf32, #tpu.memory_space<hbm>>
      %dma_wait3A_106 = arith.constant 0 : i32
      %dma_wait3A_107 = tpu.memref_slice %arg4[%add3A_79, %dma_wait3A_106] : memref<100000x128xf32, #tpu.memory_space<hbm>> -> memref<128x128xf32, #tpu.memory_space<hbm>>
      tpu.wait_dma2 semaphore(%arg17 : memref<!tpu.dma_semaphore, #tpu.memory_space<semaphore_mem>>) src(%arg9 : memref<128x128xf32, #tpu.memory_space<vmem>>) dst(%dma_wait3A_107 : memref<128x128xf32, #tpu.memory_space<hbm>>)
      %dma_start3A_108 = arith.constant 768 : i32
      %dma_start3A_109 = tpu.memref_slice %arg6[%dma_start3A_108] : memref<3200xi32, #tpu.memory_space<vmem>> -> memref<128xi32, #tpu.memory_space<vmem>>
      %dma_start3A_110 = arith.constant 0 : i32
      %dma_start3A_111 = arith.constant 0 : i32
      %dma_start3A_112 = tpu.memref_slice %arg5[%dma_start3A_110, %dma_start3A_111] : memref<100x128xf32, #tpu.memory_space<vmem_shared>> -> memref<100x128xf32, #tpu.memory_space<vmem_shared>>
      tpu.enqueue_indirect_dma source(%dma_start3A_112 : memref<100x128xf32, #tpu.memory_space<vmem_shared>>) target(%arg9 : memref<128x128xf32, #tpu.memory_space<vmem>>) offsets(%dma_start3A_109 : memref<128xi32, #tpu.memory_space<vmem>>) semaphore(%arg13 : memref<!tpu.dma_semaphore, #tpu.memory_space<semaphore_mem>>)
      %dma_wait3A_113 = arith.constant 512 : i32
      %dma_wait3A_114 = tpu.memref_slice %arg6[%dma_wait3A_113] : memref<3200xi32, #tpu.memory_space<vmem>> -> memref<128xi32, #tpu.memory_space<vmem>>
      %dma_wait3A_115 = arith.constant 0 : i32
      %dma_wait3A_116 = arith.constant 0 : i32
      %dma_wait3A_117 = tpu.memref_slice %arg5[%dma_wait3A_115, %dma_wait3A_116] : memref<100x128xf32, #tpu.memory_space<vmem_shared>> -> memref<100x128xf32, #tpu.memory_space<vmem_shared>>
      tpu.wait_indirect_dma semaphore(%arg11 : memref<!tpu.dma_semaphore, #tpu.memory_space<semaphore_mem>>) src(%dma_wait3A_117 : memref<100x128xf32, #tpu.memory_space<vmem_shared>>) dst(%arg7 : memref<128x128xf32, #tpu.memory_space<vmem>>)
      %add3A_118 = arith.constant 512 : i32
      %add3A_119 = arith.addi %mul3A_2, %add3A_118 : i32
      %dma_start3A_120 = arith.constant 0 : i32
      %dma_start3A_121 = tpu.memref_slice %arg4[%add3A_119, %dma_start3A_120] : memref<100000x128xf32, #tpu.memory_space<hbm>> -> memref<128x128xf32, #tpu.memory_space<hbm>>
      %dma_start3A_122 = arith.constant 0 : i32
      %dma_start3A_123 = tpu.memref_slice %arg4[%add3A_119, %dma_start3A_122] : memref<100000x128xf32, #tpu.memory_space<hbm>> -> memref<128x128xf32, #tpu.memory_space<hbm>>
      tpu.enqueue_dma source(%arg7 : memref<128x128xf32, #tpu.memory_space<vmem>>) target(%dma_start3A_123 : memref<128x128xf32, #tpu.memory_space<hbm>>) target_semaphore(%arg15 : memref<!tpu.dma_semaphore, #tpu.memory_space<semaphore_mem>>)
      %dma_wait3A_124 = arith.constant 0 : i32
      %dma_wait3A_125 = tpu.memref_slice %arg4[%add3A_99, %dma_wait3A_124] : memref<100000x128xf32, #tpu.memory_space<hbm>> -> memref<128x128xf32, #tpu.memory_space<hbm>>
      %dma_wait3A_126 = arith.constant 0 : i32
      %dma_wait3A_127 = tpu.memref_slice %arg4[%add3A_99, %dma_wait3A_126] : memref<100000x128xf32, #tpu.memory_space<hbm>> -> memref<128x128xf32, #tpu.memory_space<hbm>>
      tpu.wait_dma2 semaphore(%arg18 : memref<!tpu.dma_semaphore, #tpu.memory_space<semaphore_mem>>) src(%arg10 : memref<128x128xf32, #tpu.memory_space<vmem>>) dst(%dma_wait3A_127 : memref<128x128xf32, #tpu.memory_space<hbm>>)
      %dma_start3A_128 = arith.constant 896 : i32
      %dma_start3A_129 = tpu.memref_slice %arg6[%dma_start3A_128] : memref<3200xi32, #tpu.memory_space<vmem>> -> memref<128xi32, #tpu.memory_space<vmem>>
      %dma_start3A_130 = arith.constant 0 : i32
      %dma_start3A_131 = arith.constant 0 : i32
      %dma_start3A_132 = tpu.memref_slice %arg5[%dma_start3A_130, %dma_start3A_131] : memref<100x128xf32, #tpu.memory_space<vmem_shared>> -> memref<100x128xf32, #tpu.memory_space<vmem_shared>>
      tpu.enqueue_indirect_dma source(%dma_start3A_132 : memref<100x128xf32, #tpu.memory_space<vmem_shared>>) target(%arg10 : memref<128x128xf32, #tpu.memory_space<vmem>>) offsets(%dma_start3A_129 : memref<128xi32, #tpu.memory_space<vmem>>) semaphore(%arg14 : memref<!tpu.dma_semaphore, #tpu.memory_space<semaphore_mem>>)
      %dma_wait3A_133 = arith.constant 640 : i32
      %dma_wait3A_134 = tpu.memref_slice %arg6[%dma_wait3A_133] : memref<3200xi32, #tpu.memory_space<vmem>> -> memref<128xi32, #tpu.memory_space<vmem>>
      %dma_wait3A_135 = arith.constant 0 : i32
      %dma_wait3A_136 = arith.constant 0 : i32
      %dma_wait3A_137 = tpu.memref_slice %arg5[%dma_wait3A_135, %dma_wait3A_136] : memref<100x128xf32, #tpu.memory_space<vmem_shared>> -> memref<100x128xf32, #tpu.memory_space<vmem_shared>>
      tpu.wait_indirect_dma semaphore(%arg12 : memref<!tpu.dma_semaphore, #tpu.memory_space<semaphore_mem>>) src(%dma_wait3A_137 : memref<100x128xf32, #tpu.memory_space<vmem_shared>>) dst(%arg8 : memref<128x128xf32, #tpu.memory_space<vmem>>)
      %add3A_138 = arith.constant 640 : i32
      %add3A_139 = arith.addi %mul3A_2, %add3A_138 : i32
      %dma_start3A_140 = arith.constant 0 : i32
      %dma_start3A_141 = tpu.memref_slice %arg4[%add3A_139, %dma_start3A_140] : memref<100000x128xf32, #tpu.memory_space<hbm>> -> memref<128x128xf32, #tpu.memory_space<hbm>>
      %dma_start3A_142 = arith.constant 0 : i32
      %dma_start3A_143 = tpu.memref_slice %arg4[%add3A_139, %dma_start3A_142] : memref<100000x128xf32, #tpu.memory_space<hbm>> -> memref<128x128xf32, #tpu.memory_space<hbm>>
      tpu.enqueue_dma source(%arg8 : memref<128x128xf32, #tpu.memory_space<vmem>>) target(%dma_start3A_143 : memref<128x128xf32, #tpu.memory_space<hbm>>) target_semaphore(%arg16 : memref<!tpu.dma_semaphore, #tpu.memory_space<semaphore_mem>>)
      %dma_wait3A_144 = arith.constant 0 : i32
      %dma_wait3A_145 = tpu.memref_slice %arg4[%add3A_119, %dma_wait3A_144] : memref<100000x128xf32, #tpu.memory_space<hbm>> -> memref<128x128xf32, #tpu.memory_space<hbm>>
      %dma_wait3A_146 = arith.constant 0 : i32
      %dma_wait3A_147 = tpu.memref_slice %arg4[%add3A_119, %dma_wait3A_146] : memref<100000x128xf32, #tpu.memory_space<hbm>> -> memref<128x128xf32, #tpu.memory_space<hbm>>
      tpu.wait_dma2 semaphore(%arg15 : memref<!tpu.dma_semaphore, #tpu.memory_space<semaphore_mem>>) src(%arg7 : memref<128x128xf32, #tpu.memory_space<vmem>>) dst(%dma_wait3A_147 : memref<128x128xf32, #tpu.memory_space<hbm>>)
      %dma_start3A_148 = arith.constant 1024 : i32
      %dma_start3A_149 = tpu.memref_slice %arg6[%dma_start3A_148] : memref<3200xi32, #tpu.memory_space<vmem>> -> memref<128xi32, #tpu.memory_space<vmem>>
      %dma_start3A_150 = arith.constant 0 : i32
      %dma_start3A_151 = arith.constant 0 : i32
      %dma_start3A_152 = tpu.memref_slice %arg5[%dma_start3A_150, %dma_start3A_151] : memref<100x128xf32, #tpu.memory_space<vmem_shared>> -> memref<100x128xf32, #tpu.memory_space<vmem_shared>>
      tpu.enqueue_indirect_dma source(%dma_start3A_152 : memref<100x128xf32, #tpu.memory_space<vmem_shared>>) target(%arg7 : memref<128x128xf32, #tpu.memory_space<vmem>>) offsets(%dma_start3A_149 : memref<128xi32, #tpu.memory_space<vmem>>) semaphore(%arg11 : memref<!tpu.dma_semaphore, #tpu.memory_space<semaphore_mem>>)
      %dma_wait3A_153 = arith.constant 768 : i32
      %dma_wait3A_154 = tpu.memref_slice %arg6[%dma_wait3A_153] : memref<3200xi32, #tpu.memory_space<vmem>> -> memref<128xi32, #tpu.memory_space<vmem>>
      %dma_wait3A_155 = arith.constant 0 : i32
      %dma_wait3A_156 = arith.constant 0 : i32
      %dma_wait3A_157 = tpu.memref_slice %arg5[%dma_wait3A_155, %dma_wait3A_156] : memref<100x128xf32, #tpu.memory_space<vmem_shared>> -> memref<100x128xf32, #tpu.memory_space<vmem_shared>>
      tpu.wait_indirect_dma semaphore(%arg13 : memref<!tpu.dma_semaphore, #tpu.memory_space<semaphore_mem>>) src(%dma_wait3A_157 : memref<100x128xf32, #tpu.memory_space<vmem_shared>>) dst(%arg9 : memref<128x128xf32, #tpu.memory_space<vmem>>)
      %add3A_158 = arith.constant 768 : i32
      %add3A_159 = arith.addi %mul3A_2, %add3A_158 : i32
      %dma_start3A_160 = arith.constant 0 : i32
      %dma_start3A_161 = tpu.memref_slice %arg4[%add3A_159, %dma_start3A_160] : memref<100000x128xf32, #tpu.memory_space<hbm>> -> memref<128x128xf32, #tpu.memory_space<hbm>>
      %dma_start3A_162 = arith.constant 0 : i32
      %dma_start3A_163 = tpu.memref_slice %arg4[%add3A_159, %dma_start3A_162] : memref<100000x128xf32, #tpu.memory_space<hbm>> -> memref<128x128xf32, #tpu.memory_space<hbm>>
      tpu.enqueue_dma source(%arg9 : memref<128x128xf32, #tpu.memory_space<vmem>>) target(%dma_start3A_163 : memref<128x128xf32, #tpu.memory_space<hbm>>) target_semaphore(%arg17 : memref<!tpu.dma_semaphore, #tpu.memory_space<semaphore_mem>>)
      %dma_wait3A_164 = arith.constant 0 : i32
      %dma_wait3A_165 = tpu.memref_slice %arg4[%add3A_139, %dma_wait3A_164] : memref<100000x128xf32, #tpu.memory_space<hbm>> -> memref<128x128xf32, #tpu.memory_space<hbm>>
      %dma_wait3A_166 = arith.constant 0 : i32
      %dma_wait3A_167 = tpu.memref_slice %arg4[%add3A_139, %dma_wait3A_166] : memref<100000x128xf32, #tpu.memory_space<hbm>> -> memref<128x128xf32, #tpu.memory_space<hbm>>
      tpu.wait_dma2 semaphore(%arg16 : memref<!tpu.dma_semaphore, #tpu.memory_space<semaphore_mem>>) src(%arg8 : memref<128x128xf32, #tpu.memory_space<vmem>>) dst(%dma_wait3A_167 : memref<128x128xf32, #tpu.memory_space<hbm>>)
      %dma_start3A_168 = arith.constant 1152 : i32
      %dma_start3A_169 = tpu.memref_slice %arg6[%dma_start3A_168] : memref<3200xi32, #tpu.memory_space<vmem>> -> memref<128xi32, #tpu.memory_space<vmem>>
      %dma_start3A_170 = arith.constant 0 : i32
      %dma_start3A_171 = arith.constant 0 : i32
      %dma_start3A_172 = tpu.memref_slice %arg5[%dma_start3A_170, %dma_start3A_171] : memref<100x128xf32, #tpu.memory_space<vmem_shared>> -> memref<100x128xf32, #tpu.memory_space<vmem_shared>>
      tpu.enqueue_indirect_dma source(%dma_start3A_172 : memref<100x128xf32, #tpu.memory_space<vmem_shared>>) target(%arg8 : memref<128x128xf32, #tpu.memory_space<vmem>>) offsets(%dma_start3A_169 : memref<128xi32, #tpu.memory_space<vmem>>) semaphore(%arg12 : memref<!tpu.dma_semaphore, #tpu.memory_space<semaphore_mem>>)
      %dma_wait3A_173 = arith.constant 896 : i32
      %dma_wait3A_174 = tpu.memref_slice %arg6[%dma_wait3A_173] : memref<3200xi32, #tpu.memory_space<vmem>> -> memref<128xi32, #tpu.memory_space<vmem>>
      %dma_wait3A_175 = arith.constant 0 : i32
      %dma_wait3A_176 = arith.constant 0 : i32
      %dma_wait3A_177 = tpu.memref_slice %arg5[%dma_wait3A_175, %dma_wait3A_176] : memref<100x128xf32, #tpu.memory_space<vmem_shared>> -> memref<100x128xf32, #tpu.memory_space<vmem_shared>>
      tpu.wait_indirect_dma semaphore(%arg14 : memref<!tpu.dma_semaphore, #tpu.memory_space<semaphore_mem>>) src(%dma_wait3A_177 : memref<100x128xf32, #tpu.memory_space<vmem_shared>>) dst(%arg10 : memref<128x128xf32, #tpu.memory_space<vmem>>)
      %add3A_178 = arith.constant 896 : i32
      %add3A_179 = arith.addi %mul3A_2, %add3A_178 : i32
      %dma_start3A_180 = arith.constant 0 : i32
      %dma_start3A_181 = tpu.memref_slice %arg4[%add3A_179, %dma_start3A_180] : memref<100000x128xf32, #tpu.memory_space<hbm>> -> memref<128x128xf32, #tpu.memory_space<hbm>>
      %dma_start3A_182 = arith.constant 0 : i32
      %dma_start3A_183 = tpu.memref_slice %arg4[%add3A_179, %dma_start3A_182] : memref<100000x128xf32, #tpu.memory_space<hbm>> -> memref<128x128xf32, #tpu.memory_space<hbm>>
      tpu.enqueue_dma source(%arg10 : memref<128x128xf32, #tpu.memory_space<vmem>>) target(%dma_start3A_183 : memref<128x128xf32, #tpu.memory_space<hbm>>) target_semaphore(%arg18 : memref<!tpu.dma_semaphore, #tpu.memory_space<semaphore_mem>>)
      %dma_wait3A_184 = arith.constant 0 : i32
      %dma_wait3A_185 = tpu.memref_slice %arg4[%add3A_159, %dma_wait3A_184] : memref<100000x128xf32, #tpu.memory_space<hbm>> -> memref<128x128xf32, #tpu.memory_space<hbm>>
      %dma_wait3A_186 = arith.constant 0 : i32
      %dma_wait3A_187 = tpu.memref_slice %arg4[%add3A_159, %dma_wait3A_186] : memref<100000x128xf32, #tpu.memory_space<hbm>> -> memref<128x128xf32, #tpu.memory_space<hbm>>
      tpu.wait_dma2 semaphore(%arg17 : memref<!tpu.dma_semaphore, #tpu.memory_space<semaphore_mem>>) src(%arg9 : memref<128x128xf32, #tpu.memory_space<vmem>>) dst(%dma_wait3A_187 : memref<128x128xf32, #tpu.memory_space<hbm>>)
      %dma_start3A_188 = arith.constant 1280 : i32
      %dma_start3A_189 = tpu.memref_slice %arg6[%dma_start3A_188] : memref<3200xi32, #tpu.memory_space<vmem>> -> memref<128xi32, #tpu.memory_space<vmem>>
      %dma_start3A_190 = arith.constant 0 : i32
      %dma_start3A_191 = arith.constant 0 : i32
      %dma_start3A_192 = tpu.memref_slice %arg5[%dma_start3A_190, %dma_start3A_191] : memref<100x128xf32, #tpu.memory_space<vmem_shared>> -> memref<100x128xf32, #tpu.memory_space<vmem_shared>>
      tpu.enqueue_indirect_dma source(%dma_start3A_192 : memref<100x128xf32, #tpu.memory_space<vmem_shared>>) target(%arg9 : memref<128x128xf32, #tpu.memory_space<vmem>>) offsets(%dma_start3A_189 : memref<128xi32, #tpu.memory_space<vmem>>) semaphore(%arg13 : memref<!tpu.dma_semaphore, #tpu.memory_space<semaphore_mem>>)
      %dma_wait3A_193 = arith.constant 1024 : i32
      %dma_wait3A_194 = tpu.memref_slice %arg6[%dma_wait3A_193] : memref<3200xi32, #tpu.memory_space<vmem>> -> memref<128xi32, #tpu.memory_space<vmem>>
      %dma_wait3A_195 = arith.constant 0 : i32
      %dma_wait3A_196 = arith.constant 0 : i32
      %dma_wait3A_197 = tpu.memref_slice %arg5[%dma_wait3A_195, %dma_wait3A_196] : memref<100x128xf32, #tpu.memory_space<vmem_shared>> -> memref<100x128xf32, #tpu.memory_space<vmem_shared>>
      tpu.wait_indirect_dma semaphore(%arg11 : memref<!tpu.dma_semaphore, #tpu.memory_space<semaphore_mem>>) src(%dma_wait3A_197 : memref<100x128xf32, #tpu.memory_space<vmem_shared>>) dst(%arg7 : memref<128x128xf32, #tpu.memory_space<vmem>>)
      %add3A_198 = arith.constant 1024 : i32
      %add3A_199 = arith.addi %mul3A_2, %add3A_198 : i32
      %dma_start3A_200 = arith.constant 0 : i32
      %dma_start3A_201 = tpu.memref_slice %arg4[%add3A_199, %dma_start3A_200] : memref<100000x128xf32, #tpu.memory_space<hbm>> -> memref<128x128xf32, #tpu.memory_space<hbm>>
      %dma_start3A_202 = arith.constant 0 : i32
      %dma_start3A_203 = tpu.memref_slice %arg4[%add3A_199, %dma_start3A_202] : memref<100000x128xf32, #tpu.memory_space<hbm>> -> memref<128x128xf32, #tpu.memory_space<hbm>>
      tpu.enqueue_dma source(%arg7 : memref<128x128xf32, #tpu.memory_space<vmem>>) target(%dma_start3A_203 : memref<128x128xf32, #tpu.memory_space<hbm>>) target_semaphore(%arg15 : memref<!tpu.dma_semaphore, #tpu.memory_space<semaphore_mem>>)
      %dma_wait3A_204 = arith.constant 0 : i32
      %dma_wait3A_205 = tpu.memref_slice %arg4[%add3A_179, %dma_wait3A_204] : memref<100000x128xf32, #tpu.memory_space<hbm>> -> memref<128x128xf32, #tpu.memory_space<hbm>>
      %dma_wait3A_206 = arith.constant 0 : i32
      %dma_wait3A_207 = tpu.memref_slice %arg4[%add3A_179, %dma_wait3A_206] : memref<100000x128xf32, #tpu.memory_space<hbm>> -> memref<128x128xf32, #tpu.memory_space<hbm>>
      tpu.wait_dma2 semaphore(%arg18 : memref<!tpu.dma_semaphore, #tpu.memory_space<semaphore_mem>>) src(%arg10 : memref<128x128xf32, #tpu.memory_space<vmem>>) dst(%dma_wait3A_207 : memref<128x128xf32, #tpu.memory_space<hbm>>)
      %dma_start3A_208 = arith.constant 1408 : i32
      %dma_start3A_209 = tpu.memref_slice %arg6[%dma_start3A_208] : memref<3200xi32, #tpu.memory_space<vmem>> -> memref<128xi32, #tpu.memory_space<vmem>>
      %dma_start3A_210 = arith.constant 0 : i32
      %dma_start3A_211 = arith.constant 0 : i32
      %dma_start3A_212 = tpu.memref_slice %arg5[%dma_start3A_210, %dma_start3A_211] : memref<100x128xf32, #tpu.memory_space<vmem_shared>> -> memref<100x128xf32, #tpu.memory_space<vmem_shared>>
      tpu.enqueue_indirect_dma source(%dma_start3A_212 : memref<100x128xf32, #tpu.memory_space<vmem_shared>>) target(%arg10 : memref<128x128xf32, #tpu.memory_space<vmem>>) offsets(%dma_start3A_209 : memref<128xi32, #tpu.memory_space<vmem>>) semaphore(%arg14 : memref<!tpu.dma_semaphore, #tpu.memory_space<semaphore_mem>>)
      %dma_wait3A_213 = arith.constant 1152 : i32
      %dma_wait3A_214 = tpu.memref_slice %arg6[%dma_wait3A_213] : memref<3200xi32, #tpu.memory_space<vmem>> -> memref<128xi32, #tpu.memory_space<vmem>>
      %dma_wait3A_215 = arith.constant 0 : i32
      %dma_wait3A_216 = arith.constant 0 : i32
      %dma_wait3A_217 = tpu.memref_slice %arg5[%dma_wait3A_215, %dma_wait3A_216] : memref<100x128xf32, #tpu.memory_space<vmem_shared>> -> memref<100x128xf32, #tpu.memory_space<vmem_shared>>
      tpu.wait_indirect_dma semaphore(%arg12 : memref<!tpu.dma_semaphore, #tpu.memory_space<semaphore_mem>>) src(%dma_wait3A_217 : memref<100x128xf32, #tpu.memory_space<vmem_shared>>) dst(%arg8 : memref<128x128xf32, #tpu.memory_space<vmem>>)
      %add3A_218 = arith.constant 1152 : i32
      %add3A_219 = arith.addi %mul3A_2, %add3A_218 : i32
      %dma_start3A_220 = arith.constant 0 : i32
      %dma_start3A_221 = tpu.memref_slice %arg4[%add3A_219, %dma_start3A_220] : memref<100000x128xf32, #tpu.memory_space<hbm>> -> memref<128x128xf32, #tpu.memory_space<hbm>>
      %dma_start3A_222 = arith.constant 0 : i32
      %dma_start3A_223 = tpu.memref_slice %arg4[%add3A_219, %dma_start3A_222] : memref<100000x128xf32, #tpu.memory_space<hbm>> -> memref<128x128xf32, #tpu.memory_space<hbm>>
      tpu.enqueue_dma source(%arg8 : memref<128x128xf32, #tpu.memory_space<vmem>>) target(%dma_start3A_223 : memref<128x128xf32, #tpu.memory_space<hbm>>) target_semaphore(%arg16 : memref<!tpu.dma_semaphore, #tpu.memory_space<semaphore_mem>>)
      %dma_wait3A_224 = arith.constant 0 : i32
      %dma_wait3A_225 = tpu.memref_slice %arg4[%add3A_199, %dma_wait3A_224] : memref<100000x128xf32, #tpu.memory_space<hbm>> -> memref<128x128xf32, #tpu.memory_space<hbm>>
      %dma_wait3A_226 = arith.constant 0 : i32
      %dma_wait3A_227 = tpu.memref_slice %arg4[%add3A_199, %dma_wait3A_226] : memref<100000x128xf32, #tpu.memory_space<hbm>> -> memref<128x128xf32, #tpu.memory_space<hbm>>
      tpu.wait_dma2 semaphore(%arg15 : memref<!tpu.dma_semaphore, #tpu.memory_space<semaphore_mem>>) src(%arg7 : memref<128x128xf32, #tpu.memory_space<vmem>>) dst(%dma_wait3A_227 : memref<128x128xf32, #tpu.memory_space<hbm>>)
      %dma_start3A_228 = arith.constant 1536 : i32
      %dma_start3A_229 = tpu.memref_slice %arg6[%dma_start3A_228] : memref<3200xi32, #tpu.memory_space<vmem>> -> memref<128xi32, #tpu.memory_space<vmem>>
      %dma_start3A_230 = arith.constant 0 : i32
      %dma_start3A_231 = arith.constant 0 : i32
      %dma_start3A_232 = tpu.memref_slice %arg5[%dma_start3A_230, %dma_start3A_231] : memref<100x128xf32, #tpu.memory_space<vmem_shared>> -> memref<100x128xf32, #tpu.memory_space<vmem_shared>>
      tpu.enqueue_indirect_dma source(%dma_start3A_232 : memref<100x128xf32, #tpu.memory_space<vmem_shared>>) target(%arg7 : memref<128x128xf32, #tpu.memory_space<vmem>>) offsets(%dma_start3A_229 : memref<128xi32, #tpu.memory_space<vmem>>) semaphore(%arg11 : memref<!tpu.dma_semaphore, #tpu.memory_space<semaphore_mem>>)
      %dma_wait3A_233 = arith.constant 1280 : i32
      %dma_wait3A_234 = tpu.memref_slice %arg6[%dma_wait3A_233] : memref<3200xi32, #tpu.memory_space<vmem>> -> memref<128xi32, #tpu.memory_space<vmem>>
      %dma_wait3A_235 = arith.constant 0 : i32
      %dma_wait3A_236 = arith.constant 0 : i32
      %dma_wait3A_237 = tpu.memref_slice %arg5[%dma_wait3A_235, %dma_wait3A_236] : memref<100x128xf32, #tpu.memory_space<vmem_shared>> -> memref<100x128xf32, #tpu.memory_space<vmem_shared>>
      tpu.wait_indirect_dma semaphore(%arg13 : memref<!tpu.dma_semaphore, #tpu.memory_space<semaphore_mem>>) src(%dma_wait3A_237 : memref<100x128xf32, #tpu.memory_space<vmem_shared>>) dst(%arg9 : memref<128x128xf32, #tpu.memory_space<vmem>>)
      %add3A_238 = arith.constant 1280 : i32
      %add3A_239 = arith.addi %mul3A_2, %add3A_238 : i32
      %dma_start3A_240 = arith.constant 0 : i32
      %dma_start3A_241 = tpu.memref_slice %arg4[%add3A_239, %dma_start3A_240] : memref<100000x128xf32, #tpu.memory_space<hbm>> -> memref<128x128xf32, #tpu.memory_space<hbm>>
      %dma_start3A_242 = arith.constant 0 : i32
      %dma_start3A_243 = tpu.memref_slice %arg4[%add3A_239, %dma_start3A_242] : memref<100000x128xf32, #tpu.memory_space<hbm>> -> memref<128x128xf32, #tpu.memory_space<hbm>>
      tpu.enqueue_dma source(%arg9 : memref<128x128xf32, #tpu.memory_space<vmem>>) target(%dma_start3A_243 : memref<128x128xf32, #tpu.memory_space<hbm>>) target_semaphore(%arg17 : memref<!tpu.dma_semaphore, #tpu.memory_space<semaphore_mem>>)
      %dma_wait3A_244 = arith.constant 0 : i32
      %dma_wait3A_245 = tpu.memref_slice %arg4[%add3A_219, %dma_wait3A_244] : memref<100000x128xf32, #tpu.memory_space<hbm>> -> memref<128x128xf32, #tpu.memory_space<hbm>>
      %dma_wait3A_246 = arith.constant 0 : i32
      %dma_wait3A_247 = tpu.memref_slice %arg4[%add3A_219, %dma_wait3A_246] : memref<100000x128xf32, #tpu.memory_space<hbm>> -> memref<128x128xf32, #tpu.memory_space<hbm>>
      tpu.wait_dma2 semaphore(%arg16 : memref<!tpu.dma_semaphore, #tpu.memory_space<semaphore_mem>>) src(%arg8 : memref<128x128xf32, #tpu.memory_space<vmem>>) dst(%dma_wait3A_247 : memref<128x128xf32, #tpu.memory_space<hbm>>)
      %dma_start3A_248 = arith.constant 1664 : i32
      %dma_start3A_249 = tpu.memref_slice %arg6[%dma_start3A_248] : memref<3200xi32, #tpu.memory_space<vmem>> -> memref<128xi32, #tpu.memory_space<vmem>>
      %dma_start3A_250 = arith.constant 0 : i32
      %dma_start3A_251 = arith.constant 0 : i32
      %dma_start3A_252 = tpu.memref_slice %arg5[%dma_start3A_250, %dma_start3A_251] : memref<100x128xf32, #tpu.memory_space<vmem_shared>> -> memref<100x128xf32, #tpu.memory_space<vmem_shared>>
      tpu.enqueue_indirect_dma source(%dma_start3A_252 : memref<100x128xf32, #tpu.memory_space<vmem_shared>>) target(%arg8 : memref<128x128xf32, #tpu.memory_space<vmem>>) offsets(%dma_start3A_249 : memref<128xi32, #tpu.memory_space<vmem>>) semaphore(%arg12 : memref<!tpu.dma_semaphore, #tpu.memory_space<semaphore_mem>>)
      %dma_wait3A_253 = arith.constant 1408 : i32
      %dma_wait3A_254 = tpu.memref_slice %arg6[%dma_wait3A_253] : memref<3200xi32, #tpu.memory_space<vmem>> -> memref<128xi32, #tpu.memory_space<vmem>>
      %dma_wait3A_255 = arith.constant 0 : i32
      %dma_wait3A_256 = arith.constant 0 : i32
      %dma_wait3A_257 = tpu.memref_slice %arg5[%dma_wait3A_255, %dma_wait3A_256] : memref<100x128xf32, #tpu.memory_space<vmem_shared>> -> memref<100x128xf32, #tpu.memory_space<vmem_shared>>
      tpu.wait_indirect_dma semaphore(%arg14 : memref<!tpu.dma_semaphore, #tpu.memory_space<semaphore_mem>>) src(%dma_wait3A_257 : memref<100x128xf32, #tpu.memory_space<vmem_shared>>) dst(%arg10 : memref<128x128xf32, #tpu.memory_space<vmem>>)
      %add3A_258 = arith.constant 1408 : i32
      %add3A_259 = arith.addi %mul3A_2, %add3A_258 : i32
      %dma_start3A_260 = arith.constant 0 : i32
      %dma_start3A_261 = tpu.memref_slice %arg4[%add3A_259, %dma_start3A_260] : memref<100000x128xf32, #tpu.memory_space<hbm>> -> memref<128x128xf32, #tpu.memory_space<hbm>>
      %dma_start3A_262 = arith.constant 0 : i32
      %dma_start3A_263 = tpu.memref_slice %arg4[%add3A_259, %dma_start3A_262] : memref<100000x128xf32, #tpu.memory_space<hbm>> -> memref<128x128xf32, #tpu.memory_space<hbm>>
      tpu.enqueue_dma source(%arg10 : memref<128x128xf32, #tpu.memory_space<vmem>>) target(%dma_start3A_263 : memref<128x128xf32, #tpu.memory_space<hbm>>) target_semaphore(%arg18 : memref<!tpu.dma_semaphore, #tpu.memory_space<semaphore_mem>>)
      %dma_wait3A_264 = arith.constant 0 : i32
      %dma_wait3A_265 = tpu.memref_slice %arg4[%add3A_239, %dma_wait3A_264] : memref<100000x128xf32, #tpu.memory_space<hbm>> -> memref<128x128xf32, #tpu.memory_space<hbm>>
      %dma_wait3A_266 = arith.constant 0 : i32
      %dma_wait3A_267 = tpu.memref_slice %arg4[%add3A_239, %dma_wait3A_266] : memref<100000x128xf32, #tpu.memory_space<hbm>> -> memref<128x128xf32, #tpu.memory_space<hbm>>
      tpu.wait_dma2 semaphore(%arg17 : memref<!tpu.dma_semaphore, #tpu.memory_space<semaphore_mem>>) src(%arg9 : memref<128x128xf32, #tpu.memory_space<vmem>>) dst(%dma_wait3A_267 : memref<128x128xf32, #tpu.memory_space<hbm>>)
      %dma_start3A_268 = arith.constant 1792 : i32
      %dma_start3A_269 = tpu.memref_slice %arg6[%dma_start3A_268] : memref<3200xi32, #tpu.memory_space<vmem>> -> memref<128xi32, #tpu.memory_space<vmem>>
      %dma_start3A_270 = arith.constant 0 : i32
      %dma_start3A_271 = arith.constant 0 : i32
      %dma_start3A_272 = tpu.memref_slice %arg5[%dma_start3A_270, %dma_start3A_271] : memref<100x128xf32, #tpu.memory_space<vmem_shared>> -> memref<100x128xf32, #tpu.memory_space<vmem_shared>>
      tpu.enqueue_indirect_dma source(%dma_start3A_272 : memref<100x128xf32, #tpu.memory_space<vmem_shared>>) target(%arg9 : memref<128x128xf32, #tpu.memory_space<vmem>>) offsets(%dma_start3A_269 : memref<128xi32, #tpu.memory_space<vmem>>) semaphore(%arg13 : memref<!tpu.dma_semaphore, #tpu.memory_space<semaphore_mem>>)
      %dma_wait3A_273 = arith.constant 1536 : i32
      %dma_wait3A_274 = tpu.memref_slice %arg6[%dma_wait3A_273] : memref<3200xi32, #tpu.memory_space<vmem>> -> memref<128xi32, #tpu.memory_space<vmem>>
      %dma_wait3A_275 = arith.constant 0 : i32
      %dma_wait3A_276 = arith.constant 0 : i32
      %dma_wait3A_277 = tpu.memref_slice %arg5[%dma_wait3A_275, %dma_wait3A_276] : memref<100x128xf32, #tpu.memory_space<vmem_shared>> -> memref<100x128xf32, #tpu.memory_space<vmem_shared>>
      tpu.wait_indirect_dma semaphore(%arg11 : memref<!tpu.dma_semaphore, #tpu.memory_space<semaphore_mem>>) src(%dma_wait3A_277 : memref<100x128xf32, #tpu.memory_space<vmem_shared>>) dst(%arg7 : memref<128x128xf32, #tpu.memory_space<vmem>>)
      %add3A_278 = arith.constant 1536 : i32
      %add3A_279 = arith.addi %mul3A_2, %add3A_278 : i32
      %dma_start3A_280 = arith.constant 0 : i32
      %dma_start3A_281 = tpu.memref_slice %arg4[%add3A_279, %dma_start3A_280] : memref<100000x128xf32, #tpu.memory_space<hbm>> -> memref<128x128xf32, #tpu.memory_space<hbm>>
      %dma_start3A_282 = arith.constant 0 : i32
      %dma_start3A_283 = tpu.memref_slice %arg4[%add3A_279, %dma_start3A_282] : memref<100000x128xf32, #tpu.memory_space<hbm>> -> memref<128x128xf32, #tpu.memory_space<hbm>>
      tpu.enqueue_dma source(%arg7 : memref<128x128xf32, #tpu.memory_space<vmem>>) target(%dma_start3A_283 : memref<128x128xf32, #tpu.memory_space<hbm>>) target_semaphore(%arg15 : memref<!tpu.dma_semaphore, #tpu.memory_space<semaphore_mem>>)
      %dma_wait3A_284 = arith.constant 0 : i32
      %dma_wait3A_285 = tpu.memref_slice %arg4[%add3A_259, %dma_wait3A_284] : memref<100000x128xf32, #tpu.memory_space<hbm>> -> memref<128x128xf32, #tpu.memory_space<hbm>>
      %dma_wait3A_286 = arith.constant 0 : i32
      %dma_wait3A_287 = tpu.memref_slice %arg4[%add3A_259, %dma_wait3A_286] : memref<100000x128xf32, #tpu.memory_space<hbm>> -> memref<128x128xf32, #tpu.memory_space<hbm>>
      tpu.wait_dma2 semaphore(%arg18 : memref<!tpu.dma_semaphore, #tpu.memory_space<semaphore_mem>>) src(%arg10 : memref<128x128xf32, #tpu.memory_space<vmem>>) dst(%dma_wait3A_287 : memref<128x128xf32, #tpu.memory_space<hbm>>)
      %dma_start3A_288 = arith.constant 1920 : i32
      %dma_start3A_289 = tpu.memref_slice %arg6[%dma_start3A_288] : memref<3200xi32, #tpu.memory_space<vmem>> -> memref<128xi32, #tpu.memory_space<vmem>>
      %dma_start3A_290 = arith.constant 0 : i32
      %dma_start3A_291 = arith.constant 0 : i32
      %dma_start3A_292 = tpu.memref_slice %arg5[%dma_start3A_290, %dma_start3A_291] : memref<100x128xf32, #tpu.memory_space<vmem_shared>> -> memref<100x128xf32, #tpu.memory_space<vmem_shared>>
      tpu.enqueue_indirect_dma source(%dma_start3A_292 : memref<100x128xf32, #tpu.memory_space<vmem_shared>>) target(%arg10 : memref<128x128xf32, #tpu.memory_space<vmem>>) offsets(%dma_start3A_289 : memref<128xi32, #tpu.memory_space<vmem>>) semaphore(%arg14 : memref<!tpu.dma_semaphore, #tpu.memory_space<semaphore_mem>>)
      %dma_wait3A_293 = arith.constant 1664 : i32
      %dma_wait3A_294 = tpu.memref_slice %arg6[%dma_wait3A_293] : memref<3200xi32, #tpu.memory_space<vmem>> -> memref<128xi32, #tpu.memory_space<vmem>>
      %dma_wait3A_295 = arith.constant 0 : i32
      %dma_wait3A_296 = arith.constant 0 : i32
      %dma_wait3A_297 = tpu.memref_slice %arg5[%dma_wait3A_295, %dma_wait3A_296] : memref<100x128xf32, #tpu.memory_space<vmem_shared>> -> memref<100x128xf32, #tpu.memory_space<vmem_shared>>
      tpu.wait_indirect_dma semaphore(%arg12 : memref<!tpu.dma_semaphore, #tpu.memory_space<semaphore_mem>>) src(%dma_wait3A_297 : memref<100x128xf32, #tpu.memory_space<vmem_shared>>) dst(%arg8 : memref<128x128xf32, #tpu.memory_space<vmem>>)
      %add3A_298 = arith.constant 1664 : i32
      %add3A_299 = arith.addi %mul3A_2, %add3A_298 : i32
      %dma_start3A_300 = arith.constant 0 : i32
      %dma_start3A_301 = tpu.memref_slice %arg4[%add3A_299, %dma_start3A_300] : memref<100000x128xf32, #tpu.memory_space<hbm>> -> memref<128x128xf32, #tpu.memory_space<hbm>>
      %dma_start3A_302 = arith.constant 0 : i32
      %dma_start3A_303 = tpu.memref_slice %arg4[%add3A_299, %dma_start3A_302] : memref<100000x128xf32, #tpu.memory_space<hbm>> -> memref<128x128xf32, #tpu.memory_space<hbm>>
      tpu.enqueue_dma source(%arg8 : memref<128x128xf32, #tpu.memory_space<vmem>>) target(%dma_start3A_303 : memref<128x128xf32, #tpu.memory_space<hbm>>) target_semaphore(%arg16 : memref<!tpu.dma_semaphore, #tpu.memory_space<semaphore_mem>>)
      %dma_wait3A_304 = arith.constant 0 : i32
      %dma_wait3A_305 = tpu.memref_slice %arg4[%add3A_279, %dma_wait3A_304] : memref<100000x128xf32, #tpu.memory_space<hbm>> -> memref<128x128xf32, #tpu.memory_space<hbm>>
      %dma_wait3A_306 = arith.constant 0 : i32
      %dma_wait3A_307 = tpu.memref_slice %arg4[%add3A_279, %dma_wait3A_306] : memref<100000x128xf32, #tpu.memory_space<hbm>> -> memref<128x128xf32, #tpu.memory_space<hbm>>
      tpu.wait_dma2 semaphore(%arg15 : memref<!tpu.dma_semaphore, #tpu.memory_space<semaphore_mem>>) src(%arg7 : memref<128x128xf32, #tpu.memory_space<vmem>>) dst(%dma_wait3A_307 : memref<128x128xf32, #tpu.memory_space<hbm>>)
      %dma_start3A_308 = arith.constant 2048 : i32
      %dma_start3A_309 = tpu.memref_slice %arg6[%dma_start3A_308] : memref<3200xi32, #tpu.memory_space<vmem>> -> memref<128xi32, #tpu.memory_space<vmem>>
      %dma_start3A_310 = arith.constant 0 : i32
      %dma_start3A_311 = arith.constant 0 : i32
      %dma_start3A_312 = tpu.memref_slice %arg5[%dma_start3A_310, %dma_start3A_311] : memref<100x128xf32, #tpu.memory_space<vmem_shared>> -> memref<100x128xf32, #tpu.memory_space<vmem_shared>>
      tpu.enqueue_indirect_dma source(%dma_start3A_312 : memref<100x128xf32, #tpu.memory_space<vmem_shared>>) target(%arg7 : memref<128x128xf32, #tpu.memory_space<vmem>>) offsets(%dma_start3A_309 : memref<128xi32, #tpu.memory_space<vmem>>) semaphore(%arg11 : memref<!tpu.dma_semaphore, #tpu.memory_space<semaphore_mem>>)
      %dma_wait3A_313 = arith.constant 1792 : i32
      %dma_wait3A_314 = tpu.memref_slice %arg6[%dma_wait3A_313] : memref<3200xi32, #tpu.memory_space<vmem>> -> memref<128xi32, #tpu.memory_space<vmem>>
      %dma_wait3A_315 = arith.constant 0 : i32
      %dma_wait3A_316 = arith.constant 0 : i32
      %dma_wait3A_317 = tpu.memref_slice %arg5[%dma_wait3A_315, %dma_wait3A_316] : memref<100x128xf32, #tpu.memory_space<vmem_shared>> -> memref<100x128xf32, #tpu.memory_space<vmem_shared>>
      tpu.wait_indirect_dma semaphore(%arg13 : memref<!tpu.dma_semaphore, #tpu.memory_space<semaphore_mem>>) src(%dma_wait3A_317 : memref<100x128xf32, #tpu.memory_space<vmem_shared>>) dst(%arg9 : memref<128x128xf32, #tpu.memory_space<vmem>>)
      %add3A_318 = arith.constant 1792 : i32
      %add3A_319 = arith.addi %mul3A_2, %add3A_318 : i32
      %dma_start3A_320 = arith.constant 0 : i32
      %dma_start3A_321 = tpu.memref_slice %arg4[%add3A_319, %dma_start3A_320] : memref<100000x128xf32, #tpu.memory_space<hbm>> -> memref<128x128xf32, #tpu.memory_space<hbm>>
      %dma_start3A_322 = arith.constant 0 : i32
      %dma_start3A_323 = tpu.memref_slice %arg4[%add3A_319, %dma_start3A_322] : memref<100000x128xf32, #tpu.memory_space<hbm>> -> memref<128x128xf32, #tpu.memory_space<hbm>>
      tpu.enqueue_dma source(%arg9 : memref<128x128xf32, #tpu.memory_space<vmem>>) target(%dma_start3A_323 : memref<128x128xf32, #tpu.memory_space<hbm>>) target_semaphore(%arg17 : memref<!tpu.dma_semaphore, #tpu.memory_space<semaphore_mem>>)
      %dma_wait3A_324 = arith.constant 0 : i32
      %dma_wait3A_325 = tpu.memref_slice %arg4[%add3A_299, %dma_wait3A_324] : memref<100000x128xf32, #tpu.memory_space<hbm>> -> memref<128x128xf32, #tpu.memory_space<hbm>>
      %dma_wait3A_326 = arith.constant 0 : i32
      %dma_wait3A_327 = tpu.memref_slice %arg4[%add3A_299, %dma_wait3A_326] : memref<100000x128xf32, #tpu.memory_space<hbm>> -> memref<128x128xf32, #tpu.memory_space<hbm>>
      tpu.wait_dma2 semaphore(%arg16 : memref<!tpu.dma_semaphore, #tpu.memory_space<semaphore_mem>>) src(%arg8 : memref<128x128xf32, #tpu.memory_space<vmem>>) dst(%dma_wait3A_327 : memref<128x128xf32, #tpu.memory_space<hbm>>)
      %dma_start3A_328 = arith.constant 2176 : i32
      %dma_start3A_329 = tpu.memref_slice %arg6[%dma_start3A_328] : memref<3200xi32, #tpu.memory_space<vmem>> -> memref<128xi32, #tpu.memory_space<vmem>>
      %dma_start3A_330 = arith.constant 0 : i32
      %dma_start3A_331 = arith.constant 0 : i32
      %dma_start3A_332 = tpu.memref_slice %arg5[%dma_start3A_330, %dma_start3A_331] : memref<100x128xf32, #tpu.memory_space<vmem_shared>> -> memref<100x128xf32, #tpu.memory_space<vmem_shared>>
      tpu.enqueue_indirect_dma source(%dma_start3A_332 : memref<100x128xf32, #tpu.memory_space<vmem_shared>>) target(%arg8 : memref<128x128xf32, #tpu.memory_space<vmem>>) offsets(%dma_start3A_329 : memref<128xi32, #tpu.memory_space<vmem>>) semaphore(%arg12 : memref<!tpu.dma_semaphore, #tpu.memory_space<semaphore_mem>>)
      %dma_wait3A_333 = arith.constant 1920 : i32
      %dma_wait3A_334 = tpu.memref_slice %arg6[%dma_wait3A_333] : memref<3200xi32, #tpu.memory_space<vmem>> -> memref<128xi32, #tpu.memory_space<vmem>>
      %dma_wait3A_335 = arith.constant 0 : i32
      %dma_wait3A_336 = arith.constant 0 : i32
      %dma_wait3A_337 = tpu.memref_slice %arg5[%dma_wait3A_335, %dma_wait3A_336] : memref<100x128xf32, #tpu.memory_space<vmem_shared>> -> memref<100x128xf32, #tpu.memory_space<vmem_shared>>
      tpu.wait_indirect_dma semaphore(%arg14 : memref<!tpu.dma_semaphore, #tpu.memory_space<semaphore_mem>>) src(%dma_wait3A_337 : memref<100x128xf32, #tpu.memory_space<vmem_shared>>) dst(%arg10 : memref<128x128xf32, #tpu.memory_space<vmem>>)
      %add3A_338 = arith.constant 1920 : i32
      %add3A_339 = arith.addi %mul3A_2, %add3A_338 : i32
      %dma_start3A_340 = arith.constant 0 : i32
      %dma_start3A_341 = tpu.memref_slice %arg4[%add3A_339, %dma_start3A_340] : memref<100000x128xf32, #tpu.memory_space<hbm>> -> memref<128x128xf32, #tpu.memory_space<hbm>>
      %dma_start3A_342 = arith.constant 0 : i32
      %dma_start3A_343 = tpu.memref_slice %arg4[%add3A_339, %dma_start3A_342] : memref<100000x128xf32, #tpu.memory_space<hbm>> -> memref<128x128xf32, #tpu.memory_space<hbm>>
      tpu.enqueue_dma source(%arg10 : memref<128x128xf32, #tpu.memory_space<vmem>>) target(%dma_start3A_343 : memref<128x128xf32, #tpu.memory_space<hbm>>) target_semaphore(%arg18 : memref<!tpu.dma_semaphore, #tpu.memory_space<semaphore_mem>>)
      %dma_wait3A_344 = arith.constant 0 : i32
      %dma_wait3A_345 = tpu.memref_slice %arg4[%add3A_319, %dma_wait3A_344] : memref<100000x128xf32, #tpu.memory_space<hbm>> -> memref<128x128xf32, #tpu.memory_space<hbm>>
      %dma_wait3A_346 = arith.constant 0 : i32
      %dma_wait3A_347 = tpu.memref_slice %arg4[%add3A_319, %dma_wait3A_346] : memref<100000x128xf32, #tpu.memory_space<hbm>> -> memref<128x128xf32, #tpu.memory_space<hbm>>
      tpu.wait_dma2 semaphore(%arg17 : memref<!tpu.dma_semaphore, #tpu.memory_space<semaphore_mem>>) src(%arg9 : memref<128x128xf32, #tpu.memory_space<vmem>>) dst(%dma_wait3A_347 : memref<128x128xf32, #tpu.memory_space<hbm>>)
      %dma_start3A_348 = arith.constant 2304 : i32
      %dma_start3A_349 = tpu.memref_slice %arg6[%dma_start3A_348] : memref<3200xi32, #tpu.memory_space<vmem>> -> memref<128xi32, #tpu.memory_space<vmem>>
      %dma_start3A_350 = arith.constant 0 : i32
      %dma_start3A_351 = arith.constant 0 : i32
      %dma_start3A_352 = tpu.memref_slice %arg5[%dma_start3A_350, %dma_start3A_351] : memref<100x128xf32, #tpu.memory_space<vmem_shared>> -> memref<100x128xf32, #tpu.memory_space<vmem_shared>>
      tpu.enqueue_indirect_dma source(%dma_start3A_352 : memref<100x128xf32, #tpu.memory_space<vmem_shared>>) target(%arg9 : memref<128x128xf32, #tpu.memory_space<vmem>>) offsets(%dma_start3A_349 : memref<128xi32, #tpu.memory_space<vmem>>) semaphore(%arg13 : memref<!tpu.dma_semaphore, #tpu.memory_space<semaphore_mem>>)
      %dma_wait3A_353 = arith.constant 2048 : i32
      %dma_wait3A_354 = tpu.memref_slice %arg6[%dma_wait3A_353] : memref<3200xi32, #tpu.memory_space<vmem>> -> memref<128xi32, #tpu.memory_space<vmem>>
      %dma_wait3A_355 = arith.constant 0 : i32
      %dma_wait3A_356 = arith.constant 0 : i32
      %dma_wait3A_357 = tpu.memref_slice %arg5[%dma_wait3A_355, %dma_wait3A_356] : memref<100x128xf32, #tpu.memory_space<vmem_shared>> -> memref<100x128xf32, #tpu.memory_space<vmem_shared>>
      tpu.wait_indirect_dma semaphore(%arg11 : memref<!tpu.dma_semaphore, #tpu.memory_space<semaphore_mem>>) src(%dma_wait3A_357 : memref<100x128xf32, #tpu.memory_space<vmem_shared>>) dst(%arg7 : memref<128x128xf32, #tpu.memory_space<vmem>>)
      %add3A_358 = arith.constant 2048 : i32
      %add3A_359 = arith.addi %mul3A_2, %add3A_358 : i32
      %dma_start3A_360 = arith.constant 0 : i32
      %dma_start3A_361 = tpu.memref_slice %arg4[%add3A_359, %dma_start3A_360] : memref<100000x128xf32, #tpu.memory_space<hbm>> -> memref<128x128xf32, #tpu.memory_space<hbm>>
      %dma_start3A_362 = arith.constant 0 : i32
      %dma_start3A_363 = tpu.memref_slice %arg4[%add3A_359, %dma_start3A_362] : memref<100000x128xf32, #tpu.memory_space<hbm>> -> memref<128x128xf32, #tpu.memory_space<hbm>>
      tpu.enqueue_dma source(%arg7 : memref<128x128xf32, #tpu.memory_space<vmem>>) target(%dma_start3A_363 : memref<128x128xf32, #tpu.memory_space<hbm>>) target_semaphore(%arg15 : memref<!tpu.dma_semaphore, #tpu.memory_space<semaphore_mem>>)
      %dma_wait3A_364 = arith.constant 0 : i32
      %dma_wait3A_365 = tpu.memref_slice %arg4[%add3A_339, %dma_wait3A_364] : memref<100000x128xf32, #tpu.memory_space<hbm>> -> memref<128x128xf32, #tpu.memory_space<hbm>>
      %dma_wait3A_366 = arith.constant 0 : i32
      %dma_wait3A_367 = tpu.memref_slice %arg4[%add3A_339, %dma_wait3A_366] : memref<100000x128xf32, #tpu.memory_space<hbm>> -> memref<128x128xf32, #tpu.memory_space<hbm>>
      tpu.wait_dma2 semaphore(%arg18 : memref<!tpu.dma_semaphore, #tpu.memory_space<semaphore_mem>>) src(%arg10 : memref<128x128xf32, #tpu.memory_space<vmem>>) dst(%dma_wait3A_367 : memref<128x128xf32, #tpu.memory_space<hbm>>)
      %dma_start3A_368 = arith.constant 2432 : i32
      %dma_start3A_369 = tpu.memref_slice %arg6[%dma_start3A_368] : memref<3200xi32, #tpu.memory_space<vmem>> -> memref<128xi32, #tpu.memory_space<vmem>>
      %dma_start3A_370 = arith.constant 0 : i32
      %dma_start3A_371 = arith.constant 0 : i32
      %dma_start3A_372 = tpu.memref_slice %arg5[%dma_start3A_370, %dma_start3A_371] : memref<100x128xf32, #tpu.memory_space<vmem_shared>> -> memref<100x128xf32, #tpu.memory_space<vmem_shared>>
      tpu.enqueue_indirect_dma source(%dma_start3A_372 : memref<100x128xf32, #tpu.memory_space<vmem_shared>>) target(%arg10 : memref<128x128xf32, #tpu.memory_space<vmem>>) offsets(%dma_start3A_369 : memref<128xi32, #tpu.memory_space<vmem>>) semaphore(%arg14 : memref<!tpu.dma_semaphore, #tpu.memory_space<semaphore_mem>>)
      %dma_wait3A_373 = arith.constant 2176 : i32
      %dma_wait3A_374 = tpu.memref_slice %arg6[%dma_wait3A_373] : memref<3200xi32, #tpu.memory_space<vmem>> -> memref<128xi32, #tpu.memory_space<vmem>>
      %dma_wait3A_375 = arith.constant 0 : i32
      %dma_wait3A_376 = arith.constant 0 : i32
      %dma_wait3A_377 = tpu.memref_slice %arg5[%dma_wait3A_375, %dma_wait3A_376] : memref<100x128xf32, #tpu.memory_space<vmem_shared>> -> memref<100x128xf32, #tpu.memory_space<vmem_shared>>
      tpu.wait_indirect_dma semaphore(%arg12 : memref<!tpu.dma_semaphore, #tpu.memory_space<semaphore_mem>>) src(%dma_wait3A_377 : memref<100x128xf32, #tpu.memory_space<vmem_shared>>) dst(%arg8 : memref<128x128xf32, #tpu.memory_space<vmem>>)
      %add3A_378 = arith.constant 2176 : i32
      %add3A_379 = arith.addi %mul3A_2, %add3A_378 : i32
      %dma_start3A_380 = arith.constant 0 : i32
      %dma_start3A_381 = tpu.memref_slice %arg4[%add3A_379, %dma_start3A_380] : memref<100000x128xf32, #tpu.memory_space<hbm>> -> memref<128x128xf32, #tpu.memory_space<hbm>>
      %dma_start3A_382 = arith.constant 0 : i32
      %dma_start3A_383 = tpu.memref_slice %arg4[%add3A_379, %dma_start3A_382] : memref<100000x128xf32, #tpu.memory_space<hbm>> -> memref<128x128xf32, #tpu.memory_space<hbm>>
      tpu.enqueue_dma source(%arg8 : memref<128x128xf32, #tpu.memory_space<vmem>>) target(%dma_start3A_383 : memref<128x128xf32, #tpu.memory_space<hbm>>) target_semaphore(%arg16 : memref<!tpu.dma_semaphore, #tpu.memory_space<semaphore_mem>>)
      %dma_wait3A_384 = arith.constant 0 : i32
      %dma_wait3A_385 = tpu.memref_slice %arg4[%add3A_359, %dma_wait3A_384] : memref<100000x128xf32, #tpu.memory_space<hbm>> -> memref<128x128xf32, #tpu.memory_space<hbm>>
      %dma_wait3A_386 = arith.constant 0 : i32
      %dma_wait3A_387 = tpu.memref_slice %arg4[%add3A_359, %dma_wait3A_386] : memref<100000x128xf32, #tpu.memory_space<hbm>> -> memref<128x128xf32, #tpu.memory_space<hbm>>
      tpu.wait_dma2 semaphore(%arg15 : memref<!tpu.dma_semaphore, #tpu.memory_space<semaphore_mem>>) src(%arg7 : memref<128x128xf32, #tpu.memory_space<vmem>>) dst(%dma_wait3A_387 : memref<128x128xf32, #tpu.memory_space<hbm>>)
      %dma_start3A_388 = arith.constant 2560 : i32
      %dma_start3A_389 = tpu.memref_slice %arg6[%dma_start3A_388] : memref<3200xi32, #tpu.memory_space<vmem>> -> memref<128xi32, #tpu.memory_space<vmem>>
      %dma_start3A_390 = arith.constant 0 : i32
      %dma_start3A_391 = arith.constant 0 : i32
      %dma_start3A_392 = tpu.memref_slice %arg5[%dma_start3A_390, %dma_start3A_391] : memref<100x128xf32, #tpu.memory_space<vmem_shared>> -> memref<100x128xf32, #tpu.memory_space<vmem_shared>>
      tpu.enqueue_indirect_dma source(%dma_start3A_392 : memref<100x128xf32, #tpu.memory_space<vmem_shared>>) target(%arg7 : memref<128x128xf32, #tpu.memory_space<vmem>>) offsets(%dma_start3A_389 : memref<128xi32, #tpu.memory_space<vmem>>) semaphore(%arg11 : memref<!tpu.dma_semaphore, #tpu.memory_space<semaphore_mem>>)
      %dma_wait3A_393 = arith.constant 2304 : i32
      %dma_wait3A_394 = tpu.memref_slice %arg6[%dma_wait3A_393] : memref<3200xi32, #tpu.memory_space<vmem>> -> memref<128xi32, #tpu.memory_space<vmem>>
      %dma_wait3A_395 = arith.constant 0 : i32
      %dma_wait3A_396 = arith.constant 0 : i32
      %dma_wait3A_397 = tpu.memref_slice %arg5[%dma_wait3A_395, %dma_wait3A_396] : memref<100x128xf32, #tpu.memory_space<vmem_shared>> -> memref<100x128xf32, #tpu.memory_space<vmem_shared>>
      tpu.wait_indirect_dma semaphore(%arg13 : memref<!tpu.dma_semaphore, #tpu.memory_space<semaphore_mem>>) src(%dma_wait3A_397 : memref<100x128xf32, #tpu.memory_space<vmem_shared>>) dst(%arg9 : memref<128x128xf32, #tpu.memory_space<vmem>>)
      %add3A_398 = arith.constant 2304 : i32
      %add3A_399 = arith.addi %mul3A_2, %add3A_398 : i32
      %dma_start3A_400 = arith.constant 0 : i32
      %dma_start3A_401 = tpu.memref_slice %arg4[%add3A_399, %dma_start3A_400] : memref<100000x128xf32, #tpu.memory_space<hbm>> -> memref<128x128xf32, #tpu.memory_space<hbm>>
      %dma_start3A_402 = arith.constant 0 : i32
      %dma_start3A_403 = tpu.memref_slice %arg4[%add3A_399, %dma_start3A_402] : memref<100000x128xf32, #tpu.memory_space<hbm>> -> memref<128x128xf32, #tpu.memory_space<hbm>>
      tpu.enqueue_dma source(%arg9 : memref<128x128xf32, #tpu.memory_space<vmem>>) target(%dma_start3A_403 : memref<128x128xf32, #tpu.memory_space<hbm>>) target_semaphore(%arg17 : memref<!tpu.dma_semaphore, #tpu.memory_space<semaphore_mem>>)
      %dma_wait3A_404 = arith.constant 0 : i32
      %dma_wait3A_405 = tpu.memref_slice %arg4[%add3A_379, %dma_wait3A_404] : memref<100000x128xf32, #tpu.memory_space<hbm>> -> memref<128x128xf32, #tpu.memory_space<hbm>>
      %dma_wait3A_406 = arith.constant 0 : i32
      %dma_wait3A_407 = tpu.memref_slice %arg4[%add3A_379, %dma_wait3A_406] : memref<100000x128xf32, #tpu.memory_space<hbm>> -> memref<128x128xf32, #tpu.memory_space<hbm>>
      tpu.wait_dma2 semaphore(%arg16 : memref<!tpu.dma_semaphore, #tpu.memory_space<semaphore_mem>>) src(%arg8 : memref<128x128xf32, #tpu.memory_space<vmem>>) dst(%dma_wait3A_407 : memref<128x128xf32, #tpu.memory_space<hbm>>)
      %dma_start3A_408 = arith.constant 2688 : i32
      %dma_start3A_409 = tpu.memref_slice %arg6[%dma_start3A_408] : memref<3200xi32, #tpu.memory_space<vmem>> -> memref<128xi32, #tpu.memory_space<vmem>>
      %dma_start3A_410 = arith.constant 0 : i32
      %dma_start3A_411 = arith.constant 0 : i32
      %dma_start3A_412 = tpu.memref_slice %arg5[%dma_start3A_410, %dma_start3A_411] : memref<100x128xf32, #tpu.memory_space<vmem_shared>> -> memref<100x128xf32, #tpu.memory_space<vmem_shared>>
      tpu.enqueue_indirect_dma source(%dma_start3A_412 : memref<100x128xf32, #tpu.memory_space<vmem_shared>>) target(%arg8 : memref<128x128xf32, #tpu.memory_space<vmem>>) offsets(%dma_start3A_409 : memref<128xi32, #tpu.memory_space<vmem>>) semaphore(%arg12 : memref<!tpu.dma_semaphore, #tpu.memory_space<semaphore_mem>>)
      %dma_wait3A_413 = arith.constant 2432 : i32
      %dma_wait3A_414 = tpu.memref_slice %arg6[%dma_wait3A_413] : memref<3200xi32, #tpu.memory_space<vmem>> -> memref<128xi32, #tpu.memory_space<vmem>>
      %dma_wait3A_415 = arith.constant 0 : i32
      %dma_wait3A_416 = arith.constant 0 : i32
      %dma_wait3A_417 = tpu.memref_slice %arg5[%dma_wait3A_415, %dma_wait3A_416] : memref<100x128xf32, #tpu.memory_space<vmem_shared>> -> memref<100x128xf32, #tpu.memory_space<vmem_shared>>
      tpu.wait_indirect_dma semaphore(%arg14 : memref<!tpu.dma_semaphore, #tpu.memory_space<semaphore_mem>>) src(%dma_wait3A_417 : memref<100x128xf32, #tpu.memory_space<vmem_shared>>) dst(%arg10 : memref<128x128xf32, #tpu.memory_space<vmem>>)
      %add3A_418 = arith.constant 2432 : i32
      %add3A_419 = arith.addi %mul3A_2, %add3A_418 : i32
      %dma_start3A_420 = arith.constant 0 : i32
      %dma_start3A_421 = tpu.memref_slice %arg4[%add3A_419, %dma_start3A_420] : memref<100000x128xf32, #tpu.memory_space<hbm>> -> memref<128x128xf32, #tpu.memory_space<hbm>>
      %dma_start3A_422 = arith.constant 0 : i32
      %dma_start3A_423 = tpu.memref_slice %arg4[%add3A_419, %dma_start3A_422] : memref<100000x128xf32, #tpu.memory_space<hbm>> -> memref<128x128xf32, #tpu.memory_space<hbm>>
      tpu.enqueue_dma source(%arg10 : memref<128x128xf32, #tpu.memory_space<vmem>>) target(%dma_start3A_423 : memref<128x128xf32, #tpu.memory_space<hbm>>) target_semaphore(%arg18 : memref<!tpu.dma_semaphore, #tpu.memory_space<semaphore_mem>>)
      %dma_wait3A_424 = arith.constant 0 : i32
      %dma_wait3A_425 = tpu.memref_slice %arg4[%add3A_399, %dma_wait3A_424] : memref<100000x128xf32, #tpu.memory_space<hbm>> -> memref<128x128xf32, #tpu.memory_space<hbm>>
      %dma_wait3A_426 = arith.constant 0 : i32
      %dma_wait3A_427 = tpu.memref_slice %arg4[%add3A_399, %dma_wait3A_426] : memref<100000x128xf32, #tpu.memory_space<hbm>> -> memref<128x128xf32, #tpu.memory_space<hbm>>
      tpu.wait_dma2 semaphore(%arg17 : memref<!tpu.dma_semaphore, #tpu.memory_space<semaphore_mem>>) src(%arg9 : memref<128x128xf32, #tpu.memory_space<vmem>>) dst(%dma_wait3A_427 : memref<128x128xf32, #tpu.memory_space<hbm>>)
      %dma_start3A_428 = arith.constant 2816 : i32
      %dma_start3A_429 = tpu.memref_slice %arg6[%dma_start3A_428] : memref<3200xi32, #tpu.memory_space<vmem>> -> memref<128xi32, #tpu.memory_space<vmem>>
      %dma_start3A_430 = arith.constant 0 : i32
      %dma_start3A_431 = arith.constant 0 : i32
      %dma_start3A_432 = tpu.memref_slice %arg5[%dma_start3A_430, %dma_start3A_431] : memref<100x128xf32, #tpu.memory_space<vmem_shared>> -> memref<100x128xf32, #tpu.memory_space<vmem_shared>>
      tpu.enqueue_indirect_dma source(%dma_start3A_432 : memref<100x128xf32, #tpu.memory_space<vmem_shared>>) target(%arg9 : memref<128x128xf32, #tpu.memory_space<vmem>>) offsets(%dma_start3A_429 : memref<128xi32, #tpu.memory_space<vmem>>) semaphore(%arg13 : memref<!tpu.dma_semaphore, #tpu.memory_space<semaphore_mem>>)
      %dma_wait3A_433 = arith.constant 2560 : i32
      %dma_wait3A_434 = tpu.memref_slice %arg6[%dma_wait3A_433] : memref<3200xi32, #tpu.memory_space<vmem>> -> memref<128xi32, #tpu.memory_space<vmem>>
      %dma_wait3A_435 = arith.constant 0 : i32
      %dma_wait3A_436 = arith.constant 0 : i32
      %dma_wait3A_437 = tpu.memref_slice %arg5[%dma_wait3A_435, %dma_wait3A_436] : memref<100x128xf32, #tpu.memory_space<vmem_shared>> -> memref<100x128xf32, #tpu.memory_space<vmem_shared>>
      tpu.wait_indirect_dma semaphore(%arg11 : memref<!tpu.dma_semaphore, #tpu.memory_space<semaphore_mem>>) src(%dma_wait3A_437 : memref<100x128xf32, #tpu.memory_space<vmem_shared>>) dst(%arg7 : memref<128x128xf32, #tpu.memory_space<vmem>>)
      %add3A_438 = arith.constant 2560 : i32
      %add3A_439 = arith.addi %mul3A_2, %add3A_438 : i32
      %dma_start3A_440 = arith.constant 0 : i32
      %dma_start3A_441 = tpu.memref_slice %arg4[%add3A_439, %dma_start3A_440] : memref<100000x128xf32, #tpu.memory_space<hbm>> -> memref<128x128xf32, #tpu.memory_space<hbm>>
      %dma_start3A_442 = arith.constant 0 : i32
      %dma_start3A_443 = tpu.memref_slice %arg4[%add3A_439, %dma_start3A_442] : memref<100000x128xf32, #tpu.memory_space<hbm>> -> memref<128x128xf32, #tpu.memory_space<hbm>>
      tpu.enqueue_dma source(%arg7 : memref<128x128xf32, #tpu.memory_space<vmem>>) target(%dma_start3A_443 : memref<128x128xf32, #tpu.memory_space<hbm>>) target_semaphore(%arg15 : memref<!tpu.dma_semaphore, #tpu.memory_space<semaphore_mem>>)
      %dma_wait3A_444 = arith.constant 0 : i32
      %dma_wait3A_445 = tpu.memref_slice %arg4[%add3A_419, %dma_wait3A_444] : memref<100000x128xf32, #tpu.memory_space<hbm>> -> memref<128x128xf32, #tpu.memory_space<hbm>>
      %dma_wait3A_446 = arith.constant 0 : i32
      %dma_wait3A_447 = tpu.memref_slice %arg4[%add3A_419, %dma_wait3A_446] : memref<100000x128xf32, #tpu.memory_space<hbm>> -> memref<128x128xf32, #tpu.memory_space<hbm>>
      tpu.wait_dma2 semaphore(%arg18 : memref<!tpu.dma_semaphore, #tpu.memory_space<semaphore_mem>>) src(%arg10 : memref<128x128xf32, #tpu.memory_space<vmem>>) dst(%dma_wait3A_447 : memref<128x128xf32, #tpu.memory_space<hbm>>)
      %dma_start3A_448 = arith.constant 2944 : i32
      %dma_start3A_449 = tpu.memref_slice %arg6[%dma_start3A_448] : memref<3200xi32, #tpu.memory_space<vmem>> -> memref<128xi32, #tpu.memory_space<vmem>>
      %dma_start3A_450 = arith.constant 0 : i32
      %dma_start3A_451 = arith.constant 0 : i32
      %dma_start3A_452 = tpu.memref_slice %arg5[%dma_start3A_450, %dma_start3A_451] : memref<100x128xf32, #tpu.memory_space<vmem_shared>> -> memref<100x128xf32, #tpu.memory_space<vmem_shared>>
      tpu.enqueue_indirect_dma source(%dma_start3A_452 : memref<100x128xf32, #tpu.memory_space<vmem_shared>>) target(%arg10 : memref<128x128xf32, #tpu.memory_space<vmem>>) offsets(%dma_start3A_449 : memref<128xi32, #tpu.memory_space<vmem>>) semaphore(%arg14 : memref<!tpu.dma_semaphore, #tpu.memory_space<semaphore_mem>>)
      %dma_wait3A_453 = arith.constant 2688 : i32
      %dma_wait3A_454 = tpu.memref_slice %arg6[%dma_wait3A_453] : memref<3200xi32, #tpu.memory_space<vmem>> -> memref<128xi32, #tpu.memory_space<vmem>>
      %dma_wait3A_455 = arith.constant 0 : i32
      %dma_wait3A_456 = arith.constant 0 : i32
      %dma_wait3A_457 = tpu.memref_slice %arg5[%dma_wait3A_455, %dma_wait3A_456] : memref<100x128xf32, #tpu.memory_space<vmem_shared>> -> memref<100x128xf32, #tpu.memory_space<vmem_shared>>
      tpu.wait_indirect_dma semaphore(%arg12 : memref<!tpu.dma_semaphore, #tpu.memory_space<semaphore_mem>>) src(%dma_wait3A_457 : memref<100x128xf32, #tpu.memory_space<vmem_shared>>) dst(%arg8 : memref<128x128xf32, #tpu.memory_space<vmem>>)
      %add3A_458 = arith.constant 2688 : i32
      %add3A_459 = arith.addi %mul3A_2, %add3A_458 : i32
      %dma_start3A_460 = arith.constant 0 : i32
      %dma_start3A_461 = tpu.memref_slice %arg4[%add3A_459, %dma_start3A_460] : memref<100000x128xf32, #tpu.memory_space<hbm>> -> memref<128x128xf32, #tpu.memory_space<hbm>>
      %dma_start3A_462 = arith.constant 0 : i32
      %dma_start3A_463 = tpu.memref_slice %arg4[%add3A_459, %dma_start3A_462] : memref<100000x128xf32, #tpu.memory_space<hbm>> -> memref<128x128xf32, #tpu.memory_space<hbm>>
      tpu.enqueue_dma source(%arg8 : memref<128x128xf32, #tpu.memory_space<vmem>>) target(%dma_start3A_463 : memref<128x128xf32, #tpu.memory_space<hbm>>) target_semaphore(%arg16 : memref<!tpu.dma_semaphore, #tpu.memory_space<semaphore_mem>>)
      %dma_wait3A_464 = arith.constant 0 : i32
      %dma_wait3A_465 = tpu.memref_slice %arg4[%add3A_439, %dma_wait3A_464] : memref<100000x128xf32, #tpu.memory_space<hbm>> -> memref<128x128xf32, #tpu.memory_space<hbm>>
      %dma_wait3A_466 = arith.constant 0 : i32
      %dma_wait3A_467 = tpu.memref_slice %arg4[%add3A_439, %dma_wait3A_466] : memref<100000x128xf32, #tpu.memory_space<hbm>> -> memref<128x128xf32, #tpu.memory_space<hbm>>
      tpu.wait_dma2 semaphore(%arg15 : memref<!tpu.dma_semaphore, #tpu.memory_space<semaphore_mem>>) src(%arg7 : memref<128x128xf32, #tpu.memory_space<vmem>>) dst(%dma_wait3A_467 : memref<128x128xf32, #tpu.memory_space<hbm>>)
      %dma_start3A_468 = arith.constant 3072 : i32
      %dma_start3A_469 = tpu.memref_slice %arg6[%dma_start3A_468] : memref<3200xi32, #tpu.memory_space<vmem>> -> memref<128xi32, #tpu.memory_space<vmem>>
      %dma_start3A_470 = arith.constant 0 : i32
      %dma_start3A_471 = arith.constant 0 : i32
      %dma_start3A_472 = tpu.memref_slice %arg5[%dma_start3A_470, %dma_start3A_471] : memref<100x128xf32, #tpu.memory_space<vmem_shared>> -> memref<100x128xf32, #tpu.memory_space<vmem_shared>>
      tpu.enqueue_indirect_dma source(%dma_start3A_472 : memref<100x128xf32, #tpu.memory_space<vmem_shared>>) target(%arg7 : memref<128x128xf32, #tpu.memory_space<vmem>>) offsets(%dma_start3A_469 : memref<128xi32, #tpu.memory_space<vmem>>) semaphore(%arg11 : memref<!tpu.dma_semaphore, #tpu.memory_space<semaphore_mem>>)
      %dma_wait3A_473 = arith.constant 2816 : i32
      %dma_wait3A_474 = tpu.memref_slice %arg6[%dma_wait3A_473] : memref<3200xi32, #tpu.memory_space<vmem>> -> memref<128xi32, #tpu.memory_space<vmem>>
      %dma_wait3A_475 = arith.constant 0 : i32
      %dma_wait3A_476 = arith.constant 0 : i32
      %dma_wait3A_477 = tpu.memref_slice %arg5[%dma_wait3A_475, %dma_wait3A_476] : memref<100x128xf32, #tpu.memory_space<vmem_shared>> -> memref<100x128xf32, #tpu.memory_space<vmem_shared>>
      tpu.wait_indirect_dma semaphore(%arg13 : memref<!tpu.dma_semaphore, #tpu.memory_space<semaphore_mem>>) src(%dma_wait3A_477 : memref<100x128xf32, #tpu.memory_space<vmem_shared>>) dst(%arg9 : memref<128x128xf32, #tpu.memory_space<vmem>>)
      %add3A_478 = arith.constant 2816 : i32
      %add3A_479 = arith.addi %mul3A_2, %add3A_478 : i32
      %dma_start3A_480 = arith.constant 0 : i32
      %dma_start3A_481 = tpu.memref_slice %arg4[%add3A_479, %dma_start3A_480] : memref<100000x128xf32, #tpu.memory_space<hbm>> -> memref<128x128xf32, #tpu.memory_space<hbm>>
      %dma_start3A_482 = arith.constant 0 : i32
      %dma_start3A_483 = tpu.memref_slice %arg4[%add3A_479, %dma_start3A_482] : memref<100000x128xf32, #tpu.memory_space<hbm>> -> memref<128x128xf32, #tpu.memory_space<hbm>>
      tpu.enqueue_dma source(%arg9 : memref<128x128xf32, #tpu.memory_space<vmem>>) target(%dma_start3A_483 : memref<128x128xf32, #tpu.memory_space<hbm>>) target_semaphore(%arg17 : memref<!tpu.dma_semaphore, #tpu.memory_space<semaphore_mem>>)
      %dma_wait3A_484 = arith.constant 2944 : i32
      %dma_wait3A_485 = tpu.memref_slice %arg6[%dma_wait3A_484] : memref<3200xi32, #tpu.memory_space<vmem>> -> memref<128xi32, #tpu.memory_space<vmem>>
      %dma_wait3A_486 = arith.constant 0 : i32
      %dma_wait3A_487 = arith.constant 0 : i32
      %dma_wait3A_488 = tpu.memref_slice %arg5[%dma_wait3A_486, %dma_wait3A_487] : memref<100x128xf32, #tpu.memory_space<vmem_shared>> -> memref<100x128xf32, #tpu.memory_space<vmem_shared>>
      tpu.wait_indirect_dma semaphore(%arg14 : memref<!tpu.dma_semaphore, #tpu.memory_space<semaphore_mem>>) src(%dma_wait3A_488 : memref<100x128xf32, #tpu.memory_space<vmem_shared>>) dst(%arg10 : memref<128x128xf32, #tpu.memory_space<vmem>>)
      %add3A_489 = arith.constant 2944 : i32
      %add3A_490 = arith.addi %mul3A_2, %add3A_489 : i32
      %dma_start3A_491 = arith.constant 0 : i32
      %dma_start3A_492 = tpu.memref_slice %arg4[%add3A_490, %dma_start3A_491] : memref<100000x128xf32, #tpu.memory_space<hbm>> -> memref<128x128xf32, #tpu.memory_space<hbm>>
      %dma_start3A_493 = arith.constant 0 : i32
      %dma_start3A_494 = tpu.memref_slice %arg4[%add3A_490, %dma_start3A_493] : memref<100000x128xf32, #tpu.memory_space<hbm>> -> memref<128x128xf32, #tpu.memory_space<hbm>>
      tpu.enqueue_dma source(%arg10 : memref<128x128xf32, #tpu.memory_space<vmem>>) target(%dma_start3A_494 : memref<128x128xf32, #tpu.memory_space<hbm>>) target_semaphore(%arg18 : memref<!tpu.dma_semaphore, #tpu.memory_space<semaphore_mem>>)
      %dma_wait3A_495 = arith.constant 3072 : i32
      %dma_wait3A_496 = tpu.memref_slice %arg6[%dma_wait3A_495] : memref<3200xi32, #tpu.memory_space<vmem>> -> memref<128xi32, #tpu.memory_space<vmem>>
      %dma_wait3A_497 = arith.constant 0 : i32
      %dma_wait3A_498 = arith.constant 0 : i32
      %dma_wait3A_499 = tpu.memref_slice %arg5[%dma_wait3A_497, %dma_wait3A_498] : memref<100x128xf32, #tpu.memory_space<vmem_shared>> -> memref<100x128xf32, #tpu.memory_space<vmem_shared>>
      tpu.wait_indirect_dma semaphore(%arg11 : memref<!tpu.dma_semaphore, #tpu.memory_space<semaphore_mem>>) src(%dma_wait3A_499 : memref<100x128xf32, #tpu.memory_space<vmem_shared>>) dst(%arg7 : memref<128x128xf32, #tpu.memory_space<vmem>>)
      %add3A_500 = arith.constant 3072 : i32
      %add3A_501 = arith.addi %mul3A_2, %add3A_500 : i32
      %dma_start3A_502 = arith.constant 0 : i32
      %dma_start3A_503 = tpu.memref_slice %arg4[%add3A_501, %dma_start3A_502] : memref<100000x128xf32, #tpu.memory_space<hbm>> -> memref<128x128xf32, #tpu.memory_space<hbm>>
      %dma_start3A_504 = arith.constant 0 : i32
      %dma_start3A_505 = tpu.memref_slice %arg4[%add3A_501, %dma_start3A_504] : memref<100000x128xf32, #tpu.memory_space<hbm>> -> memref<128x128xf32, #tpu.memory_space<hbm>>
      tpu.enqueue_dma source(%arg7 : memref<128x128xf32, #tpu.memory_space<vmem>>) target(%dma_start3A_505 : memref<128x128xf32, #tpu.memory_space<hbm>>) target_semaphore(%arg15 : memref<!tpu.dma_semaphore, #tpu.memory_space<semaphore_mem>>)
      %dma_wait3A_506 = arith.constant 0 : i32
      %dma_wait3A_507 = tpu.memref_slice %arg4[%add3A_501, %dma_wait3A_506] : memref<100000x128xf32, #tpu.memory_space<hbm>> -> memref<128x128xf32, #tpu.memory_space<hbm>>
      %dma_wait3A_508 = arith.constant 0 : i32
      %dma_wait3A_509 = tpu.memref_slice %arg4[%add3A_501, %dma_wait3A_508] : memref<100000x128xf32, #tpu.memory_space<hbm>> -> memref<128x128xf32, #tpu.memory_space<hbm>>
      tpu.wait_dma2 semaphore(%arg15 : memref<!tpu.dma_semaphore, #tpu.memory_space<semaphore_mem>>) src(%arg7 : memref<128x128xf32, #tpu.memory_space<vmem>>) dst(%dma_wait3A_509 : memref<128x128xf32, #tpu.memory_space<hbm>>)
      %dma_wait3A_510 = arith.constant 0 : i32
      %dma_wait3A_511 = tpu.memref_slice %arg4[%add3A_459, %dma_wait3A_510] : memref<100000x128xf32, #tpu.memory_space<hbm>> -> memref<128x128xf32, #tpu.memory_space<hbm>>
      %dma_wait3A_512 = arith.constant 0 : i32
      %dma_wait3A_513 = tpu.memref_slice %arg4[%add3A_459, %dma_wait3A_512] : memref<100000x128xf32, #tpu.memory_space<hbm>> -> memref<128x128xf32, #tpu.memory_space<hbm>>
      tpu.wait_dma2 semaphore(%arg16 : memref<!tpu.dma_semaphore, #tpu.memory_space<semaphore_mem>>) src(%arg8 : memref<128x128xf32, #tpu.memory_space<vmem>>) dst(%dma_wait3A_513 : memref<128x128xf32, #tpu.memory_space<hbm>>)
      %dma_wait3A_514 = arith.constant 0 : i32
      %dma_wait3A_515 = tpu.memref_slice %arg4[%add3A_479, %dma_wait3A_514] : memref<100000x128xf32, #tpu.memory_space<hbm>> -> memref<128x128xf32, #tpu.memory_space<hbm>>
      %dma_wait3A_516 = arith.constant 0 : i32
      %dma_wait3A_517 = tpu.memref_slice %arg4[%add3A_479, %dma_wait3A_516] : memref<100000x128xf32, #tpu.memory_space<hbm>> -> memref<128x128xf32, #tpu.memory_space<hbm>>
      tpu.wait_dma2 semaphore(%arg17 : memref<!tpu.dma_semaphore, #tpu.memory_space<semaphore_mem>>) src(%arg9 : memref<128x128xf32, #tpu.memory_space<vmem>>) dst(%dma_wait3A_517 : memref<128x128xf32, #tpu.memory_space<hbm>>)
      %dma_wait3A_518 = arith.constant 0 : i32
      %dma_wait3A_519 = tpu.memref_slice %arg4[%add3A_490, %dma_wait3A_518] : memref<100000x128xf32, #tpu.memory_space<hbm>> -> memref<128x128xf32, #tpu.memory_space<hbm>>
      %dma_wait3A_520 = arith.constant 0 : i32
      %dma_wait3A_521 = tpu.memref_slice %arg4[%add3A_490, %dma_wait3A_520] : memref<100000x128xf32, #tpu.memory_space<hbm>> -> memref<128x128xf32, #tpu.memory_space<hbm>>
      tpu.wait_dma2 semaphore(%arg18 : memref<!tpu.dma_semaphore, #tpu.memory_space<semaphore_mem>>) src(%arg10 : memref<128x128xf32, #tpu.memory_space<vmem>>) dst(%dma_wait3A_521 : memref<128x128xf32, #tpu.memory_space<hbm>>)
    } else {
    }
    %eq3A_19 = arith.constant 31 : i32
    %eq3A_20 = arith.cmpi eq, %add3A, %eq3A_19 : i32
    %convert_element_type3A_21 = arith.extui %eq3A_20 : i1 to i32
    %cond3A_22 = arith.constant 0 : i32
    %cond3A_23 = arith.cmpi ne, %convert_element_type3A_21, %cond3A_22 : i32
    scf.if %cond3A_23 {
      %dma_start3A = arith.constant 0 : i32
      %dma_start3A_24 = tpu.memref_slice %arg6[%dma_start3A] : memref<3200xi32, #tpu.memory_space<vmem>> -> memref<128xi32, #tpu.memory_space<vmem>>
      %dma_start3A_25 = arith.constant 0 : i32
      %dma_start3A_26 = arith.constant 0 : i32
      %dma_start3A_27 = tpu.memref_slice %arg5[%dma_start3A_25, %dma_start3A_26] : memref<100x128xf32, #tpu.memory_space<vmem_shared>> -> memref<100x128xf32, #tpu.memory_space<vmem_shared>>
      tpu.enqueue_indirect_dma source(%dma_start3A_27 : memref<100x128xf32, #tpu.memory_space<vmem_shared>>) target(%arg7 : memref<128x128xf32, #tpu.memory_space<vmem>>) offsets(%dma_start3A_24 : memref<128xi32, #tpu.memory_space<vmem>>) semaphore(%arg11 : memref<!tpu.dma_semaphore, #tpu.memory_space<semaphore_mem>>)
      %dma_wait3A = arith.constant 0 : i32
      %dma_wait3A_28 = tpu.memref_slice %arg6[%dma_wait3A] : memref<3200xi32, #tpu.memory_space<vmem>> -> memref<128xi32, #tpu.memory_space<vmem>>
      %dma_wait3A_29 = arith.constant 0 : i32
      %dma_wait3A_30 = arith.constant 0 : i32
      %dma_wait3A_31 = tpu.memref_slice %arg5[%dma_wait3A_29, %dma_wait3A_30] : memref<100x128xf32, #tpu.memory_space<vmem_shared>> -> memref<100x128xf32, #tpu.memory_space<vmem_shared>>
      tpu.wait_indirect_dma semaphore(%arg11 : memref<!tpu.dma_semaphore, #tpu.memory_space<semaphore_mem>>) src(%dma_wait3A_31 : memref<100x128xf32, #tpu.memory_space<vmem_shared>>) dst(%arg7 : memref<128x128xf32, #tpu.memory_space<vmem>>)
      %add3A_32 = arith.constant 0 : i32
      %add3A_33 = arith.addi %mul3A_2, %add3A_32 : i32
      "tpu.region"() ({
        %run_scoped3A = tpu.sem_alloc : memref<!tpu.dma_semaphore, #tpu.memory_space<semaphore_mem>>
        %dma_start3A_112 = arith.constant 0 : i32
        %dma_start3A_113 = tpu.memref_slice %arg4[%add3A_33, %dma_start3A_112] : memref<100000x128xf32, #tpu.memory_space<hbm>> -> memref<128x128xf32, #tpu.memory_space<hbm>>
        %dma_start3A_114 = arith.constant 0 : i32
        %dma_start3A_115 = tpu.memref_slice %arg4[%add3A_33, %dma_start3A_114] : memref<100000x128xf32, #tpu.memory_space<hbm>> -> memref<128x128xf32, #tpu.memory_space<hbm>>
        tpu.enqueue_dma source(%arg7 : memref<128x128xf32, #tpu.memory_space<vmem>>) target(%dma_start3A_115 : memref<128x128xf32, #tpu.memory_space<hbm>>) target_semaphore(%run_scoped3A : memref<!tpu.dma_semaphore, #tpu.memory_space<semaphore_mem>>)
        %dma_wait3A_116 = arith.constant 0 : i32
        %dma_wait3A_117 = tpu.memref_slice %arg4[%add3A_33, %dma_wait3A_116] : memref<100000x128xf32, #tpu.memory_space<hbm>> -> memref<128x128xf32, #tpu.memory_space<hbm>>
        %dma_wait3A_118 = arith.constant 0 : i32
        %dma_wait3A_119 = tpu.memref_slice %arg4[%add3A_33, %dma_wait3A_118] : memref<100000x128xf32, #tpu.memory_space<hbm>> -> memref<128x128xf32, #tpu.memory_space<hbm>>
        tpu.wait_dma2 semaphore(%run_scoped3A : memref<!tpu.dma_semaphore, #tpu.memory_space<semaphore_mem>>) src(%arg7 : memref<128x128xf32, #tpu.memory_space<vmem>>) dst(%dma_wait3A_119 : memref<128x128xf32, #tpu.memory_space<hbm>>)
        tpu.yield
      }) : () -> ()
      %dma_start3A_34 = arith.constant 128 : i32
      %dma_start3A_35 = tpu.memref_slice %arg6[%dma_start3A_34] : memref<3200xi32, #tpu.memory_space<vmem>> -> memref<128xi32, #tpu.memory_space<vmem>>
      %dma_start3A_36 = arith.constant 0 : i32
      %dma_start3A_37 = arith.constant 0 : i32
      %dma_start3A_38 = tpu.memref_slice %arg5[%dma_start3A_36, %dma_start3A_37] : memref<100x128xf32, #tpu.memory_space<vmem_shared>> -> memref<100x128xf32, #tpu.memory_space<vmem_shared>>
      tpu.enqueue_indirect_dma source(%dma_start3A_38 : memref<100x128xf32, #tpu.memory_space<vmem_shared>>) target(%arg8 : memref<128x128xf32, #tpu.memory_space<vmem>>) offsets(%dma_start3A_35 : memref<128xi32, #tpu.memory_space<vmem>>) semaphore(%arg12 : memref<!tpu.dma_semaphore, #tpu.memory_space<semaphore_mem>>)
      %dma_wait3A_39 = arith.constant 128 : i32
      %dma_wait3A_40 = tpu.memref_slice %arg6[%dma_wait3A_39] : memref<3200xi32, #tpu.memory_space<vmem>> -> memref<128xi32, #tpu.memory_space<vmem>>
      %dma_wait3A_41 = arith.constant 0 : i32
      %dma_wait3A_42 = arith.constant 0 : i32
      %dma_wait3A_43 = tpu.memref_slice %arg5[%dma_wait3A_41, %dma_wait3A_42] : memref<100x128xf32, #tpu.memory_space<vmem_shared>> -> memref<100x128xf32, #tpu.memory_space<vmem_shared>>
      tpu.wait_indirect_dma semaphore(%arg12 : memref<!tpu.dma_semaphore, #tpu.memory_space<semaphore_mem>>) src(%dma_wait3A_43 : memref<100x128xf32, #tpu.memory_space<vmem_shared>>) dst(%arg8 : memref<128x128xf32, #tpu.memory_space<vmem>>)
      %add3A_44 = arith.constant 128 : i32
      %add3A_45 = arith.addi %mul3A_2, %add3A_44 : i32
      "tpu.region"() ({
        %run_scoped3A = tpu.sem_alloc : memref<!tpu.dma_semaphore, #tpu.memory_space<semaphore_mem>>
        %dma_start3A_112 = arith.constant 0 : i32
        %dma_start3A_113 = tpu.memref_slice %arg4[%add3A_45, %dma_start3A_112] : memref<100000x128xf32, #tpu.memory_space<hbm>> -> memref<128x128xf32, #tpu.memory_space<hbm>>
        %dma_start3A_114 = arith.constant 0 : i32
        %dma_start3A_115 = tpu.memref_slice %arg4[%add3A_45, %dma_start3A_114] : memref<100000x128xf32, #tpu.memory_space<hbm>> -> memref<128x128xf32, #tpu.memory_space<hbm>>
        tpu.enqueue_dma source(%arg8 : memref<128x128xf32, #tpu.memory_space<vmem>>) target(%dma_start3A_115 : memref<128x128xf32, #tpu.memory_space<hbm>>) target_semaphore(%run_scoped3A : memref<!tpu.dma_semaphore, #tpu.memory_space<semaphore_mem>>)
        %dma_wait3A_116 = arith.constant 0 : i32
        %dma_wait3A_117 = tpu.memref_slice %arg4[%add3A_45, %dma_wait3A_116] : memref<100000x128xf32, #tpu.memory_space<hbm>> -> memref<128x128xf32, #tpu.memory_space<hbm>>
        %dma_wait3A_118 = arith.constant 0 : i32
        %dma_wait3A_119 = tpu.memref_slice %arg4[%add3A_45, %dma_wait3A_118] : memref<100000x128xf32, #tpu.memory_space<hbm>> -> memref<128x128xf32, #tpu.memory_space<hbm>>
        tpu.wait_dma2 semaphore(%run_scoped3A : memref<!tpu.dma_semaphore, #tpu.memory_space<semaphore_mem>>) src(%arg8 : memref<128x128xf32, #tpu.memory_space<vmem>>) dst(%dma_wait3A_119 : memref<128x128xf32, #tpu.memory_space<hbm>>)
        tpu.yield
      }) : () -> ()
      %dma_start3A_46 = arith.constant 256 : i32
      %dma_start3A_47 = tpu.memref_slice %arg6[%dma_start3A_46] : memref<3200xi32, #tpu.memory_space<vmem>> -> memref<128xi32, #tpu.memory_space<vmem>>
      %dma_start3A_48 = arith.constant 0 : i32
      %dma_start3A_49 = arith.constant 0 : i32
      %dma_start3A_50 = tpu.memref_slice %arg5[%dma_start3A_48, %dma_start3A_49] : memref<100x128xf32, #tpu.memory_space<vmem_shared>> -> memref<100x128xf32, #tpu.memory_space<vmem_shared>>
      tpu.enqueue_indirect_dma source(%dma_start3A_50 : memref<100x128xf32, #tpu.memory_space<vmem_shared>>) target(%arg9 : memref<128x128xf32, #tpu.memory_space<vmem>>) offsets(%dma_start3A_47 : memref<128xi32, #tpu.memory_space<vmem>>) semaphore(%arg13 : memref<!tpu.dma_semaphore, #tpu.memory_space<semaphore_mem>>)
      %dma_wait3A_51 = arith.constant 256 : i32
      %dma_wait3A_52 = tpu.memref_slice %arg6[%dma_wait3A_51] : memref<3200xi32, #tpu.memory_space<vmem>> -> memref<128xi32, #tpu.memory_space<vmem>>
      %dma_wait3A_53 = arith.constant 0 : i32
      %dma_wait3A_54 = arith.constant 0 : i32
      %dma_wait3A_55 = tpu.memref_slice %arg5[%dma_wait3A_53, %dma_wait3A_54] : memref<100x128xf32, #tpu.memory_space<vmem_shared>> -> memref<100x128xf32, #tpu.memory_space<vmem_shared>>
      tpu.wait_indirect_dma semaphore(%arg13 : memref<!tpu.dma_semaphore, #tpu.memory_space<semaphore_mem>>) src(%dma_wait3A_55 : memref<100x128xf32, #tpu.memory_space<vmem_shared>>) dst(%arg9 : memref<128x128xf32, #tpu.memory_space<vmem>>)
      %add3A_56 = arith.constant 256 : i32
      %add3A_57 = arith.addi %mul3A_2, %add3A_56 : i32
      "tpu.region"() ({
        %run_scoped3A = tpu.sem_alloc : memref<!tpu.dma_semaphore, #tpu.memory_space<semaphore_mem>>
        %dma_start3A_112 = arith.constant 0 : i32
        %dma_start3A_113 = tpu.memref_slice %arg4[%add3A_57, %dma_start3A_112] : memref<100000x128xf32, #tpu.memory_space<hbm>> -> memref<128x128xf32, #tpu.memory_space<hbm>>
        %dma_start3A_114 = arith.constant 0 : i32
        %dma_start3A_115 = tpu.memref_slice %arg4[%add3A_57, %dma_start3A_114] : memref<100000x128xf32, #tpu.memory_space<hbm>> -> memref<128x128xf32, #tpu.memory_space<hbm>>
        tpu.enqueue_dma source(%arg9 : memref<128x128xf32, #tpu.memory_space<vmem>>) target(%dma_start3A_115 : memref<128x128xf32, #tpu.memory_space<hbm>>) target_semaphore(%run_scoped3A : memref<!tpu.dma_semaphore, #tpu.memory_space<semaphore_mem>>)
        %dma_wait3A_116 = arith.constant 0 : i32
        %dma_wait3A_117 = tpu.memref_slice %arg4[%add3A_57, %dma_wait3A_116] : memref<100000x128xf32, #tpu.memory_space<hbm>> -> memref<128x128xf32, #tpu.memory_space<hbm>>
        %dma_wait3A_118 = arith.constant 0 : i32
        %dma_wait3A_119 = tpu.memref_slice %arg4[%add3A_57, %dma_wait3A_118] : memref<100000x128xf32, #tpu.memory_space<hbm>> -> memref<128x128xf32, #tpu.memory_space<hbm>>
        tpu.wait_dma2 semaphore(%run_scoped3A : memref<!tpu.dma_semaphore, #tpu.memory_space<semaphore_mem>>) src(%arg9 : memref<128x128xf32, #tpu.memory_space<vmem>>) dst(%dma_wait3A_119 : memref<128x128xf32, #tpu.memory_space<hbm>>)
        tpu.yield
      }) : () -> ()
      %dma_start3A_58 = arith.constant 384 : i32
      %dma_start3A_59 = tpu.memref_slice %arg6[%dma_start3A_58] : memref<3200xi32, #tpu.memory_space<vmem>> -> memref<128xi32, #tpu.memory_space<vmem>>
      %dma_start3A_60 = arith.constant 0 : i32
      %dma_start3A_61 = arith.constant 0 : i32
      %dma_start3A_62 = tpu.memref_slice %arg5[%dma_start3A_60, %dma_start3A_61] : memref<100x128xf32, #tpu.memory_space<vmem_shared>> -> memref<100x128xf32, #tpu.memory_space<vmem_shared>>
      tpu.enqueue_indirect_dma source(%dma_start3A_62 : memref<100x128xf32, #tpu.memory_space<vmem_shared>>) target(%arg10 : memref<128x128xf32, #tpu.memory_space<vmem>>) offsets(%dma_start3A_59 : memref<128xi32, #tpu.memory_space<vmem>>) semaphore(%arg14 : memref<!tpu.dma_semaphore, #tpu.memory_space<semaphore_mem>>)
      %dma_wait3A_63 = arith.constant 384 : i32
      %dma_wait3A_64 = tpu.memref_slice %arg6[%dma_wait3A_63] : memref<3200xi32, #tpu.memory_space<vmem>> -> memref<128xi32, #tpu.memory_space<vmem>>
      %dma_wait3A_65 = arith.constant 0 : i32
      %dma_wait3A_66 = arith.constant 0 : i32
      %dma_wait3A_67 = tpu.memref_slice %arg5[%dma_wait3A_65, %dma_wait3A_66] : memref<100x128xf32, #tpu.memory_space<vmem_shared>> -> memref<100x128xf32, #tpu.memory_space<vmem_shared>>
      tpu.wait_indirect_dma semaphore(%arg14 : memref<!tpu.dma_semaphore, #tpu.memory_space<semaphore_mem>>) src(%dma_wait3A_67 : memref<100x128xf32, #tpu.memory_space<vmem_shared>>) dst(%arg10 : memref<128x128xf32, #tpu.memory_space<vmem>>)
      %add3A_68 = arith.constant 384 : i32
      %add3A_69 = arith.addi %mul3A_2, %add3A_68 : i32
      "tpu.region"() ({
        %run_scoped3A = tpu.sem_alloc : memref<!tpu.dma_semaphore, #tpu.memory_space<semaphore_mem>>
        %dma_start3A_112 = arith.constant 0 : i32
        %dma_start3A_113 = tpu.memref_slice %arg4[%add3A_69, %dma_start3A_112] : memref<100000x128xf32, #tpu.memory_space<hbm>> -> memref<128x128xf32, #tpu.memory_space<hbm>>
        %dma_start3A_114 = arith.constant 0 : i32
        %dma_start3A_115 = tpu.memref_slice %arg4[%add3A_69, %dma_start3A_114] : memref<100000x128xf32, #tpu.memory_space<hbm>> -> memref<128x128xf32, #tpu.memory_space<hbm>>
        tpu.enqueue_dma source(%arg10 : memref<128x128xf32, #tpu.memory_space<vmem>>) target(%dma_start3A_115 : memref<128x128xf32, #tpu.memory_space<hbm>>) target_semaphore(%run_scoped3A : memref<!tpu.dma_semaphore, #tpu.memory_space<semaphore_mem>>)
        %dma_wait3A_116 = arith.constant 0 : i32
        %dma_wait3A_117 = tpu.memref_slice %arg4[%add3A_69, %dma_wait3A_116] : memref<100000x128xf32, #tpu.memory_space<hbm>> -> memref<128x128xf32, #tpu.memory_space<hbm>>
        %dma_wait3A_118 = arith.constant 0 : i32
        %dma_wait3A_119 = tpu.memref_slice %arg4[%add3A_69, %dma_wait3A_118] : memref<100000x128xf32, #tpu.memory_space<hbm>> -> memref<128x128xf32, #tpu.memory_space<hbm>>
        tpu.wait_dma2 semaphore(%run_scoped3A : memref<!tpu.dma_semaphore, #tpu.memory_space<semaphore_mem>>) src(%arg10 : memref<128x128xf32, #tpu.memory_space<vmem>>) dst(%dma_wait3A_119 : memref<128x128xf32, #tpu.memory_space<hbm>>)
        tpu.yield
      }) : () -> ()
      %dma_start3A_70 = arith.constant 512 : i32
      %dma_start3A_71 = tpu.memref_slice %arg6[%dma_start3A_70] : memref<3200xi32, #tpu.memory_space<vmem>> -> memref<128xi32, #tpu.memory_space<vmem>>
      %dma_start3A_72 = arith.constant 0 : i32
      %dma_start3A_73 = arith.constant 0 : i32
      %dma_start3A_74 = tpu.memref_slice %arg5[%dma_start3A_72, %dma_start3A_73] : memref<100x128xf32, #tpu.memory_space<vmem_shared>> -> memref<100x128xf32, #tpu.memory_space<vmem_shared>>
      tpu.enqueue_indirect_dma source(%dma_start3A_74 : memref<100x128xf32, #tpu.memory_space<vmem_shared>>) target(%arg7 : memref<128x128xf32, #tpu.memory_space<vmem>>) offsets(%dma_start3A_71 : memref<128xi32, #tpu.memory_space<vmem>>) semaphore(%arg11 : memref<!tpu.dma_semaphore, #tpu.memory_space<semaphore_mem>>)
      %dma_wait3A_75 = arith.constant 512 : i32
      %dma_wait3A_76 = tpu.memref_slice %arg6[%dma_wait3A_75] : memref<3200xi32, #tpu.memory_space<vmem>> -> memref<128xi32, #tpu.memory_space<vmem>>
      %dma_wait3A_77 = arith.constant 0 : i32
      %dma_wait3A_78 = arith.constant 0 : i32
      %dma_wait3A_79 = tpu.memref_slice %arg5[%dma_wait3A_77, %dma_wait3A_78] : memref<100x128xf32, #tpu.memory_space<vmem_shared>> -> memref<100x128xf32, #tpu.memory_space<vmem_shared>>
      tpu.wait_indirect_dma semaphore(%arg11 : memref<!tpu.dma_semaphore, #tpu.memory_space<semaphore_mem>>) src(%dma_wait3A_79 : memref<100x128xf32, #tpu.memory_space<vmem_shared>>) dst(%arg7 : memref<128x128xf32, #tpu.memory_space<vmem>>)
      %add3A_80 = arith.constant 512 : i32
      %add3A_81 = arith.addi %mul3A_2, %add3A_80 : i32
      "tpu.region"() ({
        %run_scoped3A = tpu.sem_alloc : memref<!tpu.dma_semaphore, #tpu.memory_space<semaphore_mem>>
        %dma_start3A_112 = arith.constant 0 : i32
        %dma_start3A_113 = tpu.memref_slice %arg4[%add3A_81, %dma_start3A_112] : memref<100000x128xf32, #tpu.memory_space<hbm>> -> memref<128x128xf32, #tpu.memory_space<hbm>>
        %dma_start3A_114 = arith.constant 0 : i32
        %dma_start3A_115 = tpu.memref_slice %arg4[%add3A_81, %dma_start3A_114] : memref<100000x128xf32, #tpu.memory_space<hbm>> -> memref<128x128xf32, #tpu.memory_space<hbm>>
        tpu.enqueue_dma source(%arg7 : memref<128x128xf32, #tpu.memory_space<vmem>>) target(%dma_start3A_115 : memref<128x128xf32, #tpu.memory_space<hbm>>) target_semaphore(%run_scoped3A : memref<!tpu.dma_semaphore, #tpu.memory_space<semaphore_mem>>)
        %dma_wait3A_116 = arith.constant 0 : i32
        %dma_wait3A_117 = tpu.memref_slice %arg4[%add3A_81, %dma_wait3A_116] : memref<100000x128xf32, #tpu.memory_space<hbm>> -> memref<128x128xf32, #tpu.memory_space<hbm>>
        %dma_wait3A_118 = arith.constant 0 : i32
        %dma_wait3A_119 = tpu.memref_slice %arg4[%add3A_81, %dma_wait3A_118] : memref<100000x128xf32, #tpu.memory_space<hbm>> -> memref<128x128xf32, #tpu.memory_space<hbm>>
        tpu.wait_dma2 semaphore(%run_scoped3A : memref<!tpu.dma_semaphore, #tpu.memory_space<semaphore_mem>>) src(%arg7 : memref<128x128xf32, #tpu.memory_space<vmem>>) dst(%dma_wait3A_119 : memref<128x128xf32, #tpu.memory_space<hbm>>)
        tpu.yield
      }) : () -> ()
      %dma_start3A_82 = arith.constant 640 : i32
      %dma_start3A_83 = tpu.memref_slice %arg6[%dma_start3A_82] : memref<3200xi32, #tpu.memory_space<vmem>> -> memref<128xi32, #tpu.memory_space<vmem>>
      %dma_start3A_84 = arith.constant 0 : i32
      %dma_start3A_85 = arith.constant 0 : i32
      %dma_start3A_86 = tpu.memref_slice %arg5[%dma_start3A_84, %dma_start3A_85] : memref<100x128xf32, #tpu.memory_space<vmem_shared>> -> memref<100x128xf32, #tpu.memory_space<vmem_shared>>
      tpu.enqueue_indirect_dma source(%dma_start3A_86 : memref<100x128xf32, #tpu.memory_space<vmem_shared>>) target(%arg8 : memref<128x128xf32, #tpu.memory_space<vmem>>) offsets(%dma_start3A_83 : memref<128xi32, #tpu.memory_space<vmem>>) semaphore(%arg12 : memref<!tpu.dma_semaphore, #tpu.memory_space<semaphore_mem>>)
      %dma_wait3A_87 = arith.constant 640 : i32
      %dma_wait3A_88 = tpu.memref_slice %arg6[%dma_wait3A_87] : memref<3200xi32, #tpu.memory_space<vmem>> -> memref<128xi32, #tpu.memory_space<vmem>>
      %dma_wait3A_89 = arith.constant 0 : i32
      %dma_wait3A_90 = arith.constant 0 : i32
      %dma_wait3A_91 = tpu.memref_slice %arg5[%dma_wait3A_89, %dma_wait3A_90] : memref<100x128xf32, #tpu.memory_space<vmem_shared>> -> memref<100x128xf32, #tpu.memory_space<vmem_shared>>
      tpu.wait_indirect_dma semaphore(%arg12 : memref<!tpu.dma_semaphore, #tpu.memory_space<semaphore_mem>>) src(%dma_wait3A_91 : memref<100x128xf32, #tpu.memory_space<vmem_shared>>) dst(%arg8 : memref<128x128xf32, #tpu.memory_space<vmem>>)
      %add3A_92 = arith.constant 640 : i32
      %add3A_93 = arith.addi %mul3A_2, %add3A_92 : i32
      "tpu.region"() ({
        %run_scoped3A = tpu.sem_alloc : memref<!tpu.dma_semaphore, #tpu.memory_space<semaphore_mem>>
        %dma_start3A_112 = arith.constant 0 : i32
        %dma_start3A_113 = tpu.memref_slice %arg4[%add3A_93, %dma_start3A_112] : memref<100000x128xf32, #tpu.memory_space<hbm>> -> memref<128x128xf32, #tpu.memory_space<hbm>>
        %dma_start3A_114 = arith.constant 0 : i32
        %dma_start3A_115 = tpu.memref_slice %arg4[%add3A_93, %dma_start3A_114] : memref<100000x128xf32, #tpu.memory_space<hbm>> -> memref<128x128xf32, #tpu.memory_space<hbm>>
        tpu.enqueue_dma source(%arg8 : memref<128x128xf32, #tpu.memory_space<vmem>>) target(%dma_start3A_115 : memref<128x128xf32, #tpu.memory_space<hbm>>) target_semaphore(%run_scoped3A : memref<!tpu.dma_semaphore, #tpu.memory_space<semaphore_mem>>)
        %dma_wait3A_116 = arith.constant 0 : i32
        %dma_wait3A_117 = tpu.memref_slice %arg4[%add3A_93, %dma_wait3A_116] : memref<100000x128xf32, #tpu.memory_space<hbm>> -> memref<128x128xf32, #tpu.memory_space<hbm>>
        %dma_wait3A_118 = arith.constant 0 : i32
        %dma_wait3A_119 = tpu.memref_slice %arg4[%add3A_93, %dma_wait3A_118] : memref<100000x128xf32, #tpu.memory_space<hbm>> -> memref<128x128xf32, #tpu.memory_space<hbm>>
        tpu.wait_dma2 semaphore(%run_scoped3A : memref<!tpu.dma_semaphore, #tpu.memory_space<semaphore_mem>>) src(%arg8 : memref<128x128xf32, #tpu.memory_space<vmem>>) dst(%dma_wait3A_119 : memref<128x128xf32, #tpu.memory_space<hbm>>)
        tpu.yield
      }) : () -> ()
      %dma_start3A_94 = arith.constant 0 : i32
      %dma_start3A_95 = arith.constant 0 : i32
      %dma_start3A_96 = tpu.memref_slice %arg9[%dma_start3A_94, %dma_start3A_95] : memref<128x128xf32, #tpu.memory_space<vmem>> -> memref<32x128xf32, #tpu.memory_space<vmem>>
      %dma_start3A_97 = arith.constant 768 : i32
      %dma_start3A_98 = tpu.memref_slice %arg6[%dma_start3A_97] : memref<3200xi32, #tpu.memory_space<vmem>> -> memref<32xi32, #tpu.memory_space<vmem>>
      %dma_start3A_99 = arith.constant 0 : i32
      %dma_start3A_100 = arith.constant 0 : i32
      %dma_start3A_101 = tpu.memref_slice %arg5[%dma_start3A_99, %dma_start3A_100] : memref<100x128xf32, #tpu.memory_space<vmem_shared>> -> memref<100x128xf32, #tpu.memory_space<vmem_shared>>
      tpu.enqueue_indirect_dma source(%dma_start3A_101 : memref<100x128xf32, #tpu.memory_space<vmem_shared>>) target(%dma_start3A_96 : memref<32x128xf32, #tpu.memory_space<vmem>>) offsets(%dma_start3A_98 : memref<32xi32, #tpu.memory_space<vmem>>) semaphore(%arg13 : memref<!tpu.dma_semaphore, #tpu.memory_space<semaphore_mem>>)
      %dma_wait3A_102 = arith.constant 0 : i32
      %dma_wait3A_103 = arith.constant 0 : i32
      %dma_wait3A_104 = tpu.memref_slice %arg9[%dma_wait3A_102, %dma_wait3A_103] : memref<128x128xf32, #tpu.memory_space<vmem>> -> memref<32x128xf32, #tpu.memory_space<vmem>>
      %dma_wait3A_105 = arith.constant 768 : i32
      %dma_wait3A_106 = tpu.memref_slice %arg6[%dma_wait3A_105] : memref<3200xi32, #tpu.memory_space<vmem>> -> memref<32xi32, #tpu.memory_space<vmem>>
      %dma_wait3A_107 = arith.constant 0 : i32
      %dma_wait3A_108 = arith.constant 0 : i32
      %dma_wait3A_109 = tpu.memref_slice %arg5[%dma_wait3A_107, %dma_wait3A_108] : memref<100x128xf32, #tpu.memory_space<vmem_shared>> -> memref<100x128xf32, #tpu.memory_space<vmem_shared>>
      tpu.wait_indirect_dma semaphore(%arg13 : memref<!tpu.dma_semaphore, #tpu.memory_space<semaphore_mem>>) src(%dma_wait3A_109 : memref<100x128xf32, #tpu.memory_space<vmem_shared>>) dst(%dma_wait3A_104 : memref<32x128xf32, #tpu.memory_space<vmem>>)
      %add3A_110 = arith.constant 768 : i32
      %add3A_111 = arith.addi %mul3A_2, %add3A_110 : i32
      "tpu.region"() ({
        %run_scoped3A = tpu.sem_alloc : memref<!tpu.dma_semaphore, #tpu.memory_space<semaphore_mem>>
        %dma_start3A_112 = arith.constant 0 : i32
        %dma_start3A_113 = arith.constant 0 : i32
        %dma_start3A_114 = tpu.memref_slice %arg9[%dma_start3A_112, %dma_start3A_113] : memref<128x128xf32, #tpu.memory_space<vmem>> -> memref<32x128xf32, #tpu.memory_space<vmem>>
        %dma_start3A_115 = arith.constant 0 : i32
        %dma_start3A_116 = tpu.memref_slice %arg4[%add3A_111, %dma_start3A_115] : memref<100000x128xf32, #tpu.memory_space<hbm>> -> memref<32x128xf32, #tpu.memory_space<hbm>>
        %dma_start3A_117 = arith.constant 0 : i32
        %dma_start3A_118 = tpu.memref_slice %arg4[%add3A_111, %dma_start3A_117] : memref<100000x128xf32, #tpu.memory_space<hbm>> -> memref<32x128xf32, #tpu.memory_space<hbm>>
        %dma_start3A_119 = arith.constant 0 : i32
        %dma_start3A_120 = arith.constant 0 : i32
        %dma_start3A_121 = tpu.memref_slice %arg9[%dma_start3A_119, %dma_start3A_120] : memref<128x128xf32, #tpu.memory_space<vmem>> -> memref<32x128xf32, #tpu.memory_space<vmem>>
        tpu.enqueue_dma source(%dma_start3A_121 : memref<32x128xf32, #tpu.memory_space<vmem>>) target(%dma_start3A_118 : memref<32x128xf32, #tpu.memory_space<hbm>>) target_semaphore(%run_scoped3A : memref<!tpu.dma_semaphore, #tpu.memory_space<semaphore_mem>>)
        %dma_wait3A_122 = arith.constant 0 : i32
        %dma_wait3A_123 = arith.constant 0 : i32
        %dma_wait3A_124 = tpu.memref_slice %arg9[%dma_wait3A_122, %dma_wait3A_123] : memref<128x128xf32, #tpu.memory_space<vmem>> -> memref<32x128xf32, #tpu.memory_space<vmem>>
        %dma_wait3A_125 = arith.constant 0 : i32
        %dma_wait3A_126 = tpu.memref_slice %arg4[%add3A_111, %dma_wait3A_125] : memref<100000x128xf32, #tpu.memory_space<hbm>> -> memref<32x128xf32, #tpu.memory_space<hbm>>
        %dma_wait3A_127 = arith.constant 0 : i32
        %dma_wait3A_128 = tpu.memref_slice %arg4[%add3A_111, %dma_wait3A_127] : memref<100000x128xf32, #tpu.memory_space<hbm>> -> memref<32x128xf32, #tpu.memory_space<hbm>>
        %dma_wait3A_129 = arith.constant 0 : i32
        %dma_wait3A_130 = arith.constant 0 : i32
        %dma_wait3A_131 = tpu.memref_slice %arg9[%dma_wait3A_129, %dma_wait3A_130] : memref<128x128xf32, #tpu.memory_space<vmem>> -> memref<32x128xf32, #tpu.memory_space<vmem>>
        tpu.wait_dma2 semaphore(%run_scoped3A : memref<!tpu.dma_semaphore, #tpu.memory_space<semaphore_mem>>) src(%dma_wait3A_131 : memref<32x128xf32, #tpu.memory_space<vmem>>) dst(%dma_wait3A_128 : memref<32x128xf32, #tpu.memory_space<hbm>>)
        tpu.yield
      }) : () -> ()
    } else {
    }
    return
  }
}

</mosaic_0001>

<sc_bundles>
// kernel: _gather.3.cloned.1.call-start
scs
__scs_entry_jumppad:
0x0: {  	(pc) =	sbr.rel $0x88, $3  }
0x1: {  	(tag) =	ssettag $0x0;
	lr =	simm.s32 $0x1  }
0x2: {  	[smem:$0x3F9F] =	sst lr;
	_ =	strace $0xD0000000  }
0x3: {  	_ = 	snop  }
0x4: {  	_ = 	snop  }
0x5: {  	_ = 	snop  }
0x6: {  	_ = 	snop  }
0x7: {  	_ = 	snop  }
__scs_overlays_trampoline_lowered:
0x8: {  	[smem:$0x3FAE] =	sst s0  }
0x9: {  	[smem:$0x3FAF] =	sst s1  }
0xa: {  	[smem:$0x3FB0] =	sst s2  }
0xb: {  	[smem:$0x3FB1] =	sst s3  }
0xc: {  	[smem:$0x3FB2] =	sst s4  }
0xd: {  	[smem:$0x3FB3] =	sst s5  }
0xe: {  	[smem:$0x3FB4] =	sst s6  }
0xf: {  	[smem:$0x3FB5] =	sst s7  }
0x10: {  	[smem:$0x3FB6] =	sst s8  }
0x11: {  	[smem:$0x3FB7] =	sst s9;
	s0 =	simm.s32 @!p0 $0x0  }
0x12: {  	s1 =	sld [smem:$0x3F9D];
	s0 =	simm.s32 @p0 $0x1  }
0x13: {  	[smem:$0x3FB8] =	sst s0;
	s0 =	simm.s32 @!p1 $0x0  }
0x14: {  	s2 =	sld [smem:$0x3F9C];
	s0 =	simm.s32 @p1 $0x1  }
0x15: {  	[smem:$0x3FB9] =	sst s0;
	s0 =	simm.s32 @!p2 $0x0  }
0x16: {  	s3 =	sld [smem:$0x3FDB];
	s0 =	simm.s32 @p2 $0x1  }
0x17: {  	s4 =	simm.s32 $0x1BF5;
	[smem:$0x3FBB] =	sst s0  }
0x18: {  	s0 =	sld [smem:$0x3F9E];
	_ =	swait.ge [sflag:s4], $0x0  }
0x19: {  	s7 =	sld [smem:$0x3F9F]  }
0x1a: {  	s8 =	sadd.s32 $0xFFFFE003, lr  }
0x1b: {  	s9 =	sadd.s32 $0xFFFFFEF7, lr;
	s5 =	simm.s32 $0xFFFFFFFF;
	p2 =	slt.u32 s8, $0xFFFFF086  }
0x1c: {  	p1 =	slt.u32 s9, $0xF7A;
	s5 =	simm.s32 @!p2 $0x0  }
0x1d: {  	s5 =	simm.s32 @p1 $0x1;
	p0 =	seq.s32 s7, s2  }
0x1e: {  	s7 =	smul.u32 @!p0 $0xF7A, s2;
	p2 =	seq.s32 @!p0 s5, $0x0  }
0x1f: {  	s9 =	smul.u32 $0xF7A, s1;
	s8 =	simm.s32 @!p0 $0x1BF5;
	p2 =	por !p2, p0  }
0x20: {  	[sflag:s8] =	ssyncset.s32 @!p0 $0xFFFFF086;
	s6 =	sadd.s32 @!p0 s3, s7;
	s7 =	simm.s32 @!p0 $0x108  }
0x21: {  	s3 =	sadd.s32 s3, s9;
	s6 =	sadd.s32 @!p0 $0x88, s6;
	s7 =	simm.s32 @p2 $0x1082  }
0x22: {  	[simem:s7], [sflag:s8] =	dma.local @!p0 [hbm:s6], $0xF7A  }
0x23: {  	s9 =	sor.u32 $0xD0000000, s2;
	s6 =	simm.s32 $0x108;
	_ =	swait.ge @!p0 [sflag:s8], $0x0  }
0x24: {  	s3 =	sadd.s32 $0x88, s3;
	s6 =	simm.s32 @!p1 $0x1082;
	[sflag:s4] =	ssyncset.s32 $0xFFFFF086  }
0x25: {  	[simem:s6], [sflag:s4] =	dma.local [hbm:s3], $0xF7A  }
0x26: {  	[smem:$0x3F9F] =	sst s1;
	(tag) =	ssettag s2;
	_ =	strace s9  }
0x27: {  	s1 =	sld [smem:$0x3FAF]  }
0x28: {  	s2 =	sld [smem:$0x3FB0]  }
0x29: {  	s4 =	sld [smem:$0x3FB2]  }
0x2a: {  	p0 =	seq.s32 s5, $0x0;
	s5 =	sld [smem:$0x3FB3]  }
0x2b: {  	s6 =	sld [smem:$0x3FB4]  }
0x2c: {  	s7 =	sld [smem:$0x3FB5]  }
0x2d: {  	s3 =	simm.s32 $0x108;
	s8 =	sld [smem:$0x3FB6]  }
0x2e: {  	s3 =	simm.s32 @!p0 $0x1082;
	s9 =	sld [smem:$0x3FB7]  }
0x2f: {  	lr =	sadd.s32 s0, s3;
	s0 =	sld [smem:$0x3FAE]  }
0x30: {  	s3 =	sld [smem:$0x3FB1]  }
0x31: {  	[smem:$0x3FBA] =	sst s10  }
0x32: {  	s10 =	sld [smem:$0x3FB8];
	_ =	sdelay $0x3  }
0x33: {  	p0 =	seq.s32 s10, $0x1;
	s10 =	sld [smem:$0x3FBA];
	_ =	sdelay $0x3  }
0x34: {  	[smem:$0x3FBA] =	sst s10  }
0x35: {  	s10 =	sld [smem:$0x3FB9];
	_ =	sdelay $0x3  }
0x36: {  	p1 =	seq.s32 s10, $0x1;
	s10 =	sld [smem:$0x3FBA];
	_ =	sdelay $0x3  }
0x37: {  	[smem:$0x3FBA] =	sst s10  }
0x38: {  	s10 =	sld [smem:$0x3FBB]  }
0x39: {  	_ = 	snop;
	(pc) =	sbr.ind lr, $3  }
0x3a: {  	_ = 	snop  }
0x3b: {  	_ = 	snop  }
0x3c: {  	p2 =	seq.s32 s10, $0x1;
	s10 =	sld [smem:$0x3FBA]  }
0x3d: {  	_ =	shalt  }
0x3e: {  	_ =	shalt  }
0x3f: {  	_ =	shalt  }
0x40: {  	_ =	shalt  }
0x41: {  	_ =	shalt  }
0x42: {  	_ =	shalt  }
0x43: {  	_ =	shalt  }
0x44: {  	_ =	shalt  }
0x45: {  	_ =	shalt  }
0x46: {  	_ =	shalt  }
0x47: {  	_ =	shalt  }
0x48: {  	_ =	shalt  }
0x49: {  	_ =	shalt  }
0x4a: {  	_ =	shalt  }
0x4b: {  	_ =	shalt  }
0x4c: {  	_ =	shalt  }
0x4d: {  	_ =	shalt  }
0x4e: {  	_ =	shalt  }
0x4f: {  	_ =	shalt  }
0x50: {  	_ =	shalt  }
0x51: {  	_ =	shalt  }
0x52: {  	_ =	shalt  }
0x53: {  	_ =	shalt  }
0x54: {  	_ =	shalt  }
0x55: {  	_ =	shalt  }
0x56: {  	_ =	shalt  }
0x57: {  	_ =	shalt  }
0x58: {  	_ =	shalt  }
0x59: {  	_ =	shalt  }
0x5a: {  	_ =	shalt  }
0x5b: {  	_ =	shalt  }
0x5c: {  	_ =	shalt  }
0x5d: {  	_ =	shalt  }
0x5e: {  	_ =	shalt  }
0x5f: {  	_ =	shalt  }
0x60: {  	_ =	shalt  }
0x61: {  	_ =	shalt  }
0x62: {  	_ =	shalt  }
0x63: {  	_ =	shalt  }
0x64: {  	_ =	shalt  }
0x65: {  	_ =	shalt  }
0x66: {  	_ =	shalt  }
0x67: {  	_ =	shalt  }
0x68: {  	_ =	shalt  }
0x69: {  	_ =	shalt  }
0x6a: {  	_ =	shalt  }
0x6b: {  	_ =	shalt  }
0x6c: {  	_ =	shalt  }
0x6d: {  	_ =	shalt  }
0x6e: {  	_ =	shalt  }
0x6f: {  	_ =	shalt  }
0x70: {  	_ =	shalt  }
0x71: {  	_ =	shalt  }
0x72: {  	_ =	shalt  }
0x73: {  	_ =	shalt  }
0x74: {  	_ =	shalt  }
0x75: {  	_ =	shalt  }
0x76: {  	_ =	shalt  }
0x77: {  	_ =	shalt  }
0x78: {  	_ =	shalt  }
0x79: {  	_ =	shalt  }
0x7a: {  	_ =	shalt  }
0x7b: {  	_ =	shalt  }
0x7c: {  	_ =	shalt  }
0x7d: {  	_ =	shalt  }
0x7e: {  	_ =	shalt  }
0x7f: {  	_ =	shalt  }
0x80: {  	_ =	shalt  }
0x81: {  	_ =	shalt  }
0x82: {  	_ =	shalt  }
0x83: {  	_ =	shalt  }
0x84: {  	_ =	shalt  }
0x85: {  	_ =	shalt  }
0x86: {  	_ =	shalt  }
0x87: {  	_ =	shalt  }
.Lfunc_end0:
.L_simem_size_0:
called_computation_lowered:
.L_overlay_start_0:
0x88: {  	s2 =	sld [smem:$0x3FD9]  }
0x89: {  	s3 =	sld [smem:$0x3FFE];
	_ =	sdelay $0x1  }
0x8a: {  	s1 =	srdreg.scid  }
0x8b: {  	s0 =	sand.u32 $0x1, s1  }
0x8c: {  	s18 =	sshll.u32 s0, $0xA;
	s2 =	sadd.s32 s3, s2  }
0x8d: {  	s2 =	sadd.s32 s2, s18  }
0x8e: {  	[smem:$0x3FC6] =	sst s2  }
0x8f: {  	_ = 	snop  }
0x90: {  	s2 =	sld [smem:$0x3FC9]  }
0x91: {  	s19 =	sld [smem:$0x3FC8]  }
0x92: {  	s4 =	sld [smem:$0x3FD0];
	(tm) =	ssettm $0x1  }
0x93: {  	s5 =	sld [smem:$0x3FFB];
	_ =	sdelay $0x3  }
0x94: {  	_ =	strace s5  }
0x95: {  	s5 =	sld [smem:$0x3FFC];
	_ =	sdelay $0x3  }
0x96: {  	_ =	strace s5  }
0x97: {  	s5 =	sld [smem:$0x3FFD];
	_ =	sdelay $0x3  }
0x98: {  	_ =	strace s5  }
0x99: {  	_ =	strace $0x8FFFFFFF  }
0x9a: {  	s20 =	sld [smem:$0x3FDB];
	_ =	sdelay $0x1  }
0x9b: {  	s6 =	simm.s32 $_scs_section_size  }
0x9c: {  	s7 =	simm.s32 $_size__tile_overlayer_lowered;
	s8 =	simm.s32 $_tile_overlayer_lowered  }
0x9d: {  	s23 =	simm.s32 $0x1BFF;
	s22 =	sshll.u32 s8, $0x1;
	s5 =	sadd.s32 s6, s20  }
0x9e: {  	s9 =	simm.s32 $0x0;
	s21 =	sshll.u32 s7, $0x1;
	s7 =	sadd.s32 s22, s5  }
0x9f: {  	[timem:s9], [sflag:s23] =	dma.local [hbm:s7], s21  }
0xa0: {  	_ =	swait.ge [sflag:s23], s21  }
0xa1: {  	s6 =	ssub.s32 $0x0, s21;
	[sflag:s23] =	ssyncset.done $0x0  }
0xa2: {  	[sflag:s23] =	ssyncadd.s32 s6;
	_ =	sdelay $0x1  }
0xa3: {  	s24 =	simm.s32 $0x1B8B  }
0xa4: {  	_ =	swait.ge [sflag:s24], $0x1  }
0xa5: {  	[sflag:s24] =	ssyncset.done $0x0  }
0xa6: {  	s25 =	simm.s32 $0x1B8E;
	[sflag:s24] =	ssyncadd.s32 $0xFFFFFFFF  }
0xa7: {  	s26 =	simm.s32 $execute0_lowered;
	[smem:$0x3FD2] =	sst s25  }
0xa8: {  	s6 =	sshll.u32 s26, $0x1;
	_ =	strace $0x80000046;
	[dreg:$0x1] =	wrdreg $0xFFFFFFFF  }
0xa9: {  	s28 =	simm.s32 $_size_execute0_lowered;
	s5 =	sadd.s32 s5, s6;
	[dreg:$0x0] =	wrdreg $0x0  }
0xaa: {  	s6 =	sshll.u32 s28, $0x1;
	[dreg:$0x2] =	wrdreg s5  }
0xab: {  	[dreg:$0x3] =	wrdreg s6  }
0xac: {  	[dreg:$0x4] =	wrdreg $0xC0  }
0xad: {  	_ =	task [dreg:s9], $0x5FFFF  }
0xae: {  	[dreg:$0x1] =	wrdreg $0xFFFFFFFF  }
0xaf: {  	[dreg:$0x0] =	wrdreg $0x60  }
0xb0: {  	[dreg:$0x2] =	wrdreg s2  }
0xb1: {  	[dreg:$0x3] =	wrdreg s19  }
0xb2: {  	[dreg:$0x4] =	wrdreg s4  }
0xb3: {  	[dreg:$0x5] =	wrdreg $0x0  }
0xb4: {  	[dreg:$0x6] =	wrdreg $0x9  }
0xb5: {  	_ =	task.clear_ibuf [dreg:s9], $0x7FFFF;
	_ =	strace $0x90000046  }
0xb6: {  	s29 =	simm.s32 $0x9;
	_ =	strace $0x80000048  }
0xb7: {  	_ =	swait.ge [sflag:s29], $0x1  }
0xb8: {  	[sflag:s29] =	ssyncadd.s32 $0xFFFFFFFF  }
0xb9: {  	_ =	strace $0x90000048  }
0xba: {  	_ =	sfence  }
0xbb: {  	s30 =	sld [smem:$0x0];
	_ =	sdelay $0x2  }
0xbc: {  	s31 =	sshll.u32 s1, $0xD;
	s1 =	sshrl.u32 s1, $0x2  }
0xbd: {  	s3 =	sand.u32 $0x4000, s31;
	s1 =	sadd.s32 s1, s30  }
0xbe: {  	s0 =	sor.u32 s3, s0;
	s1 =	sshll.u32 s1, $0x11  }
0xbf: {  	s0 =	sor.u32 s1, s0  }
0xc0: {  	s0 =	sadd.s32 $0x8F2B, s0  }
0xc1: {  	[sflag:s0] =	ssyncadd.remote.s32 $0x1  }
0xc2: {  	_ =	sfence.sel $0xFFFF  }
0xc3: {  	[dreg:$0x0] =	wrdreg $0xFFFFFFFF;
	(pc) =	sbr.abs _section_cstart, $3  }
0xc4: {  	[dreg:$0x1] =	wrdreg $0xFFFFFFFF  }
0xc5: {  	_ =	task.clear_ibuf [dreg:s9], $0x2FFFF;
	_ =	strace $0x9FFFFFFF  }
0xc6: {  	(tm) =	ssettm $0x7FFFFFFF  }
0xc7: {  	_ =	shalt  }
tec
execute0_lowered:
.L_overlay_start_1:
0x0: {  	(tag) =	ssettag $0x1  }
0x1: {  	s1 =	srdreg.scid;
	s4 =	stileid.u32  }
0x2: {  	s0 =	rddreg [dreg:$0x1];
	s1 =	sand.u32 $0x1, s1;
	s3 =	sshll.u32 s4, $0x1  }
0x3: {  	s8 =	rddreg [dreg:$0x2];
	s5 =	sor.u32 s1, s3  }
0x4: {  	s2 =	rddreg [dreg:$0x3];
	s6 =	smul.u32 $0x190, s5  }
0x5: {  	s3 =	simm.s32 $0x0;
	s1 =	ssub.s32 $0x2, s1;
	s7 =	smul.u32 $0x64000, s5  }
0x6: {  	[smem:$0x7FF] =	sst s3;
	s9 =	sshrl.u32 s1, $0x1;
	s10 =	smul.u32 $0xC800, s5  }
0x7: {  	_ =	strace $0x80000047;
	s9 =	ssub.s32 s1, s9;
	s6 =	sadd.s32 s0, s6  }
0x8: {  	s17 =	sshrl.u32 s7, $0x3;
	s18 =	sadd.s32 s8, s10;
	[dreg:$0x5] =	wrdreg s6  }
0x9: {  	s0 =	sadd.s32 $0x3070, s0;
	[dreg:$0x6] =	wrdreg s18;
	s1 =	sadd.s32 s8, s17  }
0xa: {  	[smem:$0x7FB] =	sst s0;
	s19 =	sadd.s32 $0x800, s1  }
0xb: {  	s20 =	sadd.s32 $0x1000, s1;
	[dreg:$0x7] =	wrdreg s19  }
0xc: {  	s21 =	sadd.s32 $0x1800, s1;
	[dreg:$0x8] =	wrdreg s20  }
0xd: {  	s22 =	sadd.s32 $0x2000, s1;
	[dreg:$0x9] =	wrdreg s21  }
0xe: {  	s23 =	sadd.s32 $0x2800, s1;
	[dreg:$0xa] =	wrdreg s22  }
0xf: {  	s24 =	sadd.s32 $0x3000, s1;
	[dreg:$0xb] =	wrdreg s23  }
0x10: {  	s25 =	sadd.s32 $0x3800, s1;
	[dreg:$0xc] =	wrdreg s24  }
0x11: {  	s26 =	sadd.s32 $0x4000, s1;
	[dreg:$0xd] =	wrdreg s25  }
0x12: {  	s7 =	sadd.s32 $0x4800, s1;
	[dreg:$0xe] =	wrdreg s26  }
0x13: {  	s28 =	simm.s32 $0x5;
	s10 =	sadd.s32 $0x5000, s1;
	[dreg:$0xf] =	wrdreg s7  }
0x14: {  	s29 =	simm.s32 $0x6;
	s11 =	sadd.s32 $0x5800, s1;
	[dreg:$0x10] =	wrdreg s10  }
0x15: {  	s30 =	simm.s32 $0x7;
	s12 =	sadd.s32 $0x6000, s1;
	[dreg:$0x11] =	wrdreg s11  }
0x16: {  	s31 =	simm.s32 $0x8;
	s13 =	sadd.s32 $0x6800, s1;
	[dreg:$0x12] =	wrdreg s12  }
0x17: {  	p0 =	sne.s32 s4, $0x0;
	s14 =	sadd.s32 $0x7000, s1;
	[dreg:$0x13] =	wrdreg s13  }
0x18: {  	p1 =	seq.s32 s5, $0x1F;
	s15 =	sadd.s32 $0x7800, s1;
	[dreg:$0x14] =	wrdreg s14  }
0x19: {  	s5 =	sadd.s32 $0x185000, s8;
	s16 =	sadd.s32 $0x8000, s1;
	[dreg:$0x15] =	wrdreg s15  }
0x1a: {  	s9 =	smax.u32 s9, $0x1;
	s17 =	sadd.s32 $0x8800, s1;
	[dreg:$0x16] =	wrdreg s16  }
0x1b: {  	s6 =	sadd.s32 $0x185800, s8;
	s18 =	sadd.s32 $0x9000, s1;
	[dreg:$0x17] =	wrdreg s17  }
0x1c: {  	[dreg:$0x18] =	wrdreg s18;
	s19 =	sadd.s32 $0x9800, s1;
	s20 =	sadd.s32 $0xA000, s1  }
0x1d: {  	s21 =	sadd.s32 $0xA800, s1;
	s22 =	sadd.s32 $0xB000, s1;
	s23 =	sadd.s32 $0xB800, s1  }
0x1e: {  	s1 =	sadd.s32 $0xC000, s1;
	s24 =	sadd.s32 $0x183800, s8;
	[dreg:$0x19] =	wrdreg s19  }
0x1f: {  	s25 =	sadd.s32 $0x184000, s8;
	s26 =	sadd.s32 $0x184800, s8;
	[dreg:$0x1a] =	wrdreg s20  }
0x20: {  	s7 =	sadd.s32 $0x186000, s8;
	s8 =	sadd.s32 $0x186800, s8;
	[dreg:$0x1b] =	wrdreg s21  }
0x21: {  	s10 =	simm.s32 $0x320;
	s11 =	simm.s32 $0x9;
	[dreg:$0x1c] =	wrdreg s22  }
0x22: {  	s12 =	simm.s32 $0x80;
	s13 =	simm.s32 $0xFA0;
	[dreg:$0x1d] =	wrdreg s23  }
0x23: {  	s14 =	simm.s32 $0x1;
	s15 =	simm.s32 $0x3A0;
	[dreg:$0x1e] =	wrdreg s1  }
.Ltmp0:
0x24: {  	s16 =	simm.s32 $0x4FA0;
	[dreg:$0x1f] =	wrdreg s24;
	(pc) =	sbr.rel .LBB2_1-.Ltmp0, $4  }
0x25: {  	s17 =	simm.s32 $0x2;
	s18 =	simm.s32 $0x420;
	[smem:$0x7FC] =	sst s25  }
0x26: {  	[smem:$0x7FD] =	sst s26;
	s19 =	simm.s32 $0x8FA0;
	s20 =	simm.s32 $0x3  }
0x27: {  	s21 =	simm.s32 $0x4A0;
	s22 =	simm.s32 $0xCFA0;
	s23 =	simm.s32 $0x4  }
0x28: {  	s24 =	simm.s32 $0x520;
	s25 =	simm.s32 $0x5A0;
	s26 =	simm.s32 $0x620  }
.LBB2_3:
0x29: {  	s0 =	sld [smem:$0x7FB];
	_ =	sdelay $0x2  }
0x2a: {  	[tilespmem:s10], [sflag:$0x9] =	stream.linear.gather [hbm4b:s0+s3], $0x320, $0x38;
	[tilespmem:$0x10FA0] =	vst v63  }
0x2b: {  	_ =	swait.ge [sflag:s11], $0x320  }
0x2c: {  	[sflag:s11] =	ssyncset.done $0x0  }
0x2d: {  	[sflag:s11] =	ssyncadd.s32 $0xFFFFFCE0  }
0x2e: {  	[bflag:$0x0] =	sbarrier.arrive $0xFFFF  }
0x2f: {  	[tilespmem:s13], [sflag:$0x1] =	stream.indirect.gather [spmem:s2], $0x80, s10, s12, $0xb8;
	[tilespmem:$0x10FA0] =	vst v63  }
0x30: {  	_ =	swait.ge [sflag:s14], $0x4000  }
0x31: {  	[sflag:s14] =	ssyncset.done $0x0  }
0x32: {  	s1 =	rddreg [dreg:$0x1f];
	[sflag:s14] =	ssyncadd.s32 $0xFFFFC000  }
0x33: {  	[hbm4b:s1+s3] =	stream.linear.scatter [tilespmem:s13], [sflag:$0x9], $0x4000, $0x38;
	[tilespmem:$0x10FA0] =	vst v63  }
0x34: {  	_ =	swait.ge [sflag:s11], $0x4000  }
0x35: {  	[sflag:s11] =	ssyncset.done $0x0  }
0x36: {  	[sflag:s11] =	ssyncadd.s32 $0xFFFFC000  }
0x37: {  	[tilespmem:s16], [sflag:$0x2] =	stream.indirect.gather [spmem:s2], $0x80, s15, s12, $0xb8;
	[tilespmem:$0x10FA0] =	vst v63  }
0x38: {  	_ =	swait.ge [sflag:s17], $0x4000  }
0x39: {  	s4 =	sld [smem:$0x7FC]  }
0x3a: {  	[sflag:s17] =	ssyncset.done $0x0  }
0x3b: {  	[sflag:s17] =	ssyncadd.s32 $0xFFFFC000  }
0x3c: {  	[hbm4b:s4+s3] =	stream.linear.scatter [tilespmem:s16], [sflag:$0x9], $0x4000, $0x38;
	[tilespmem:$0x10FA0] =	vst v63  }
0x3d: {  	_ =	swait.ge [sflag:s11], $0x4000  }
0x3e: {  	[sflag:s11] =	ssyncset.done $0x0  }
0x3f: {  	[sflag:s11] =	ssyncadd.s32 $0xFFFFC000  }
0x40: {  	[tilespmem:s19], [sflag:$0x3] =	stream.indirect.gather [spmem:s2], $0x80, s18, s12, $0xb8;
	[tilespmem:$0x10FA0] =	vst v63  }
0x41: {  	_ =	swait.ge [sflag:s20], $0x4000  }
0x42: {  	s1 =	sld [smem:$0x7FD]  }
0x43: {  	[sflag:s20] =	ssyncset.done $0x0  }
0x44: {  	[sflag:s20] =	ssyncadd.s32 $0xFFFFC000  }
0x45: {  	[hbm4b:s1+s3] =	stream.linear.scatter [tilespmem:s19], [sflag:$0x9], $0x4000, $0x38;
	[tilespmem:$0x10FA0] =	vst v63  }
0x46: {  	_ =	swait.ge [sflag:s11], $0x4000  }
0x47: {  	[sflag:s11] =	ssyncset.done $0x0  }
0x48: {  	[sflag:s11] =	ssyncadd.s32 $0xFFFFC000  }
0x49: {  	[tilespmem:s22], [sflag:$0x4] =	stream.indirect.gather [spmem:s2], $0x80, s21, s12, $0xb8;
	[tilespmem:$0x10FA0] =	vst v63  }
0x4a: {  	_ =	swait.ge [sflag:s23], $0x4000  }
0x4b: {  	[sflag:s23] =	ssyncset.done $0x0  }
0x4c: {  	[sflag:s23] =	ssyncadd.s32 $0xFFFFC000  }
0x4d: {  	[hbm4b:s5+s3] =	stream.linear.scatter [tilespmem:s22], [sflag:$0x9], $0x4000, $0x38;
	[tilespmem:$0x10FA0] =	vst v63  }
0x4e: {  	_ =	swait.ge [sflag:s11], $0x4000  }
0x4f: {  	[sflag:s11] =	ssyncset.done $0x0  }
0x50: {  	[sflag:s11] =	ssyncadd.s32 $0xFFFFC000  }
0x51: {  	[tilespmem:s13], [sflag:$0x1] =	stream.indirect.gather [spmem:s2], $0x80, s24, s12, $0xb8;
	[tilespmem:$0x10FA0] =	vst v63  }
0x52: {  	_ =	swait.ge [sflag:s14], $0x4000  }
0x53: {  	[sflag:s14] =	ssyncset.done $0x0  }
0x54: {  	[sflag:s14] =	ssyncadd.s32 $0xFFFFC000  }
0x55: {  	[hbm4b:s6+s3] =	stream.linear.scatter [tilespmem:s13], [sflag:$0x9], $0x4000, $0x38;
	[tilespmem:$0x10FA0] =	vst v63  }
0x56: {  	_ =	swait.ge [sflag:s11], $0x4000  }
0x57: {  	[sflag:s11] =	ssyncset.done $0x0  }
0x58: {  	[sflag:s11] =	ssyncadd.s32 $0xFFFFC000  }
0x59: {  	[tilespmem:s16], [sflag:$0x2] =	stream.indirect.gather [spmem:s2], $0x80, s25, s12, $0xb8;
	[tilespmem:$0x10FA0] =	vst v63  }
0x5a: {  	_ =	swait.ge [sflag:s17], $0x4000  }
0x5b: {  	[sflag:s17] =	ssyncset.done $0x0  }
0x5c: {  	[sflag:s17] =	ssyncadd.s32 $0xFFFFC000  }
0x5d: {  	[hbm4b:s7+s3] =	stream.linear.scatter [tilespmem:s16], [sflag:$0x9], $0x4000, $0x38;
	[tilespmem:$0x10FA0] =	vst v63  }
0x5e: {  	_ =	swait.ge [sflag:s11], $0x4000  }
0x5f: {  	[sflag:s11] =	ssyncset.done $0x0  }
0x60: {  	s4 =	simm.s32 $0x20;
	[sflag:s11] =	ssyncadd.s32 $0xFFFFC000  }
0x61: {  	[tilespmem:s19], [sflag:$0x3] =	stream.indirect.gather [spmem:s2], $0x80, s26, s4, $0xb8;
	[tilespmem:$0x10FA0] =	vst v63  }
0x62: {  	_ =	swait.ge [sflag:s20], $0x1000  }
0x63: {  	[sflag:s20] =	ssyncset.done $0x0  }
0x64: {  	[sflag:s20] =	ssyncadd.s32 $0xFFFFF000  }
0x65: {  	[hbm4b:s8+s3] =	stream.linear.scatter [tilespmem:s19], [sflag:$0x9], $0x1000, $0x38;
	[tilespmem:$0x10FA0] =	vst v63  }
0x66: {  	_ =	swait.ge [sflag:s11], $0x1000  }
0x67: {  	[sflag:s11] =	ssyncset.done $0x0  }
0x68: {  	[sflag:s11] =	ssyncadd.s32 $0xFFFFF000  }
.LBB2_4:
0x69: {  	s9 =	sadd.s32 $0xFFFFFFFF, s9  }
0x6a: {  	p2 =	sne.s32 s9, $0x0  }
.Ltmp1:
0x6b: {  	_ = 	snop;
	(pc) =	sbr.rel @!p2 .LBB2_5-.Ltmp1, $1  }
0x6c: {  	_ =	sdelay $0x3  }
.LBB2_1:
0x6d: {  	s1 =	sshrl.u32 @!p0 s2, $0x3;
	s0 =	simm.s32 @!p0 $0x1C09;
	s4 =	rddreg [dreg:$0x0]  }
0x6e: {  	[spmem:s1], [sflag:s0] =	dma.local @!p0 [hbm:s4], $0x640  }
.Ltmp2:
0x6f: {  	_ = 	snop;
	(pc) =	sbr.rel @p1 .LBB2_3-.Ltmp2, $4  }
0x70: {  	s0 =	simm.s32 @!p0 $0x9  }
0x71: {  	_ =	swait.ge @!p0 [sflag:s0], $0x640  }
0x72: {  	[sflag:s0] =	ssyncset.done @!p0 $0x0  }
0x73: {  	[sflag:s0] =	ssyncadd.s32 @!p0 $0xFFFFF9C0  }
0x74: {  	s0 =	rddreg [dreg:$0x5]  }
0x75: {  	[tilespmem:s10], [sflag:$0x9] =	stream.linear.gather [hbm4b:s0+s3], $0xC80, $0x38;
	[tilespmem:$0x10FA0] =	vst v63  }
0x76: {  	_ =	swait.ge [sflag:s11], $0xC80  }
0x77: {  	[sflag:s11] =	ssyncset.done $0x0  }
0x78: {  	[sflag:s11] =	ssyncadd.s32 $0xFFFFF380  }
0x79: {  	[bflag:$0x0] =	sbarrier.arrive $0xFFFF  }
0x7a: {  	[tilespmem:s13], [sflag:$0x1] =	stream.indirect.gather [spmem:s2], $0x80, s10, s12, $0xb8;
	[tilespmem:$0x10FA0] =	vst v63  }
0x7b: {  	_ = 	snop  }
0x7c: {  	[tilespmem:s16], [sflag:$0x2] =	stream.indirect.gather [spmem:s2], $0x80, s15, s12, $0xb8;
	[tilespmem:$0x10FA0] =	vst v63  }
0x7d: {  	_ = 	snop  }
0x7e: {  	[tilespmem:s19], [sflag:$0x3] =	stream.indirect.gather [spmem:s2], $0x80, s18, s12, $0xb8;
	[tilespmem:$0x10FA0] =	vst v63  }
0x7f: {  	_ =	swait.ge [sflag:s14], $0x4000  }
0x80: {  	[sflag:s14] =	ssyncset.done $0x0  }
0x81: {  	s4 =	rddreg [dreg:$0x6];
	[sflag:s14] =	ssyncadd.s32 $0xFFFFC000  }
0x82: {  	[hbm4b:s4+s3] =	stream.linear.scatter [tilespmem:s13], [sflag:$0x5], $0x4000, $0x38;
	[tilespmem:$0x10FA0] =	vst v63  }
0x83: {  	_ = 	snop  }
0x84: {  	[tilespmem:s22], [sflag:$0x4] =	stream.indirect.gather [spmem:s2], $0x80, s21, s12, $0xb8;
	[tilespmem:$0x10FA0] =	vst v63  }
0x85: {  	_ =	swait.ge [sflag:s17], $0x4000  }
0x86: {  	[sflag:s17] =	ssyncset.done $0x0  }
0x87: {  	s1 =	rddreg [dreg:$0x7];
	[sflag:s17] =	ssyncadd.s32 $0xFFFFC000  }
0x88: {  	[hbm4b:s1+s3] =	stream.linear.scatter [tilespmem:s16], [sflag:$0x6], $0x4000, $0x38;
	[tilespmem:$0x10FA0] =	vst v63  }
0x89: {  	_ =	swait.ge [sflag:s28], $0x4000  }
0x8a: {  	[sflag:s28] =	ssyncset.done $0x0  }
0x8b: {  	[sflag:s28] =	ssyncadd.s32 $0xFFFFC000  }
0x8c: {  	[tilespmem:s13], [sflag:$0x1] =	stream.indirect.gather [spmem:s2], $0x80, s24, s12, $0xb8;
	[tilespmem:$0x10FA0] =	vst v63  }
0x8d: {  	_ =	swait.ge [sflag:s20], $0x4000  }
0x8e: {  	[sflag:s20] =	ssyncset.done $0x0  }
0x8f: {  	s4 =	rddreg [dreg:$0x8];
	[sflag:s20] =	ssyncadd.s32 $0xFFFFC000  }
0x90: {  	[hbm4b:s4+s3] =	stream.linear.scatter [tilespmem:s19], [sflag:$0x7], $0x4000, $0x38;
	[tilespmem:$0x10FA0] =	vst v63  }
0x91: {  	_ =	swait.ge [sflag:s29], $0x4000  }
0x92: {  	[sflag:s29] =	ssyncset.done $0x0  }
0x93: {  	[sflag:s29] =	ssyncadd.s32 $0xFFFFC000  }
0x94: {  	[tilespmem:s16], [sflag:$0x2] =	stream.indirect.gather [spmem:s2], $0x80, s25, s12, $0xb8;
	[tilespmem:$0x10FA0] =	vst v63  }
0x95: {  	_ =	swait.ge [sflag:s23], $0x4000  }
0x96: {  	[sflag:s23] =	ssyncset.done $0x0  }
0x97: {  	s1 =	rddreg [dreg:$0x9];
	[sflag:s23] =	ssyncadd.s32 $0xFFFFC000  }
0x98: {  	[hbm4b:s1+s3] =	stream.linear.scatter [tilespmem:s22], [sflag:$0x8], $0x4000, $0x38;
	[tilespmem:$0x10FA0] =	vst v63  }
0x99: {  	_ =	swait.ge [sflag:s30], $0x4000  }
0x9a: {  	[sflag:s30] =	ssyncset.done $0x0  }
0x9b: {  	[sflag:s30] =	ssyncadd.s32 $0xFFFFC000  }
0x9c: {  	[tilespmem:s19], [sflag:$0x3] =	stream.indirect.gather [spmem:s2], $0x80, s26, s12, $0xb8;
	[tilespmem:$0x10FA0] =	vst v63  }
0x9d: {  	_ =	swait.ge [sflag:s14], $0x4000  }
0x9e: {  	[sflag:s14] =	ssyncset.done $0x0  }
0x9f: {  	s4 =	rddreg [dreg:$0xa];
	[sflag:s14] =	ssyncadd.s32 $0xFFFFC000  }
0xa0: {  	[hbm4b:s4+s3] =	stream.linear.scatter [tilespmem:s13], [sflag:$0x5], $0x4000, $0x38;
	[tilespmem:$0x10FA0] =	vst v63  }
0xa1: {  	_ =	swait.ge [sflag:s31], $0x4000  }
0xa2: {  	[sflag:s31] =	ssyncset.done $0x0  }
0xa3: {  	s1 =	simm.s32 $0x6A0;
	[sflag:s31] =	ssyncadd.s32 $0xFFFFC000  }
0xa4: {  	[tilespmem:s22], [sflag:$0x4] =	stream.indirect.gather [spmem:s2], $0x80, s1, s12, $0xb8;
	[tilespmem:$0x10FA0] =	vst v63  }
0xa5: {  	_ =	swait.ge [sflag:s17], $0x4000  }
0xa6: {  	[sflag:s17] =	ssyncset.done $0x0  }
0xa7: {  	s4 =	rddreg [dreg:$0xb];
	[sflag:s17] =	ssyncadd.s32 $0xFFFFC000  }
0xa8: {  	[hbm4b:s4+s3] =	stream.linear.scatter [tilespmem:s16], [sflag:$0x6], $0x4000, $0x38;
	[tilespmem:$0x10FA0] =	vst v63  }
0xa9: {  	_ =	swait.ge [sflag:s28], $0x4000  }
0xaa: {  	[sflag:s28] =	ssyncset.done $0x0  }
0xab: {  	s1 =	simm.s32 $0x720;
	[sflag:s28] =	ssyncadd.s32 $0xFFFFC000  }
0xac: {  	[tilespmem:s13], [sflag:$0x1] =	stream.indirect.gather [spmem:s2], $0x80, s1, s12, $0xb8;
	[tilespmem:$0x10FA0] =	vst v63  }
0xad: {  	_ =	swait.ge [sflag:s20], $0x4000  }
0xae: {  	[sflag:s20] =	ssyncset.done $0x0  }
0xaf: {  	s4 =	rddreg [dreg:$0xc];
	[sflag:s20] =	ssyncadd.s32 $0xFFFFC000  }
0xb0: {  	[hbm4b:s4+s3] =	stream.linear.scatter [tilespmem:s19], [sflag:$0x7], $0x4000, $0x38;
	[tilespmem:$0x10FA0] =	vst v63  }
0xb1: {  	_ =	swait.ge [sflag:s29], $0x4000  }
0xb2: {  	[sflag:s29] =	ssyncset.done $0x0  }
0xb3: {  	s1 =	simm.s32 $0x7A0;
	[sflag:s29] =	ssyncadd.s32 $0xFFFFC000  }
0xb4: {  	[tilespmem:s16], [sflag:$0x2] =	stream.indirect.gather [spmem:s2], $0x80, s1, s12, $0xb8;
	[tilespmem:$0x10FA0] =	vst v63  }
0xb5: {  	_ =	swait.ge [sflag:s23], $0x4000  }
0xb6: {  	[sflag:s23] =	ssyncset.done $0x0  }
0xb7: {  	s4 =	rddreg [dreg:$0xd];
	[sflag:s23] =	ssyncadd.s32 $0xFFFFC000  }
0xb8: {  	[hbm4b:s4+s3] =	stream.linear.scatter [tilespmem:s22], [sflag:$0x8], $0x4000, $0x38;
	[tilespmem:$0x10FA0] =	vst v63  }
0xb9: {  	_ =	swait.ge [sflag:s30], $0x4000  }
0xba: {  	[sflag:s30] =	ssyncset.done $0x0  }
0xbb: {  	s1 =	simm.s32 $0x820;
	[sflag:s30] =	ssyncadd.s32 $0xFFFFC000  }
0xbc: {  	[tilespmem:s19], [sflag:$0x3] =	stream.indirect.gather [spmem:s2], $0x80, s1, s12, $0xb8;
	[tilespmem:$0x10FA0] =	vst v63  }
0xbd: {  	_ =	swait.ge [sflag:s14], $0x4000  }
0xbe: {  	[sflag:s14] =	ssyncset.done $0x0  }
0xbf: {  	s4 =	rddreg [dreg:$0xe];
	[sflag:s14] =	ssyncadd.s32 $0xFFFFC000  }
0xc0: {  	[hbm4b:s4+s3] =	stream.linear.scatter [tilespmem:s13], [sflag:$0x5], $0x4000, $0x38;
	[tilespmem:$0x10FA0] =	vst v63  }
0xc1: {  	_ =	swait.ge [sflag:s31], $0x4000  }
0xc2: {  	[sflag:s31] =	ssyncset.done $0x0  }
0xc3: {  	s1 =	simm.s32 $0x8A0;
	[sflag:s31] =	ssyncadd.s32 $0xFFFFC000  }
0xc4: {  	[tilespmem:s22], [sflag:$0x4] =	stream.indirect.gather [spmem:s2], $0x80, s1, s12, $0xb8;
	[tilespmem:$0x10FA0] =	vst v63  }
0xc5: {  	_ =	swait.ge [sflag:s17], $0x4000  }
0xc6: {  	[sflag:s17] =	ssyncset.done $0x0  }
0xc7: {  	s4 =	rddreg [dreg:$0xf];
	[sflag:s17] =	ssyncadd.s32 $0xFFFFC000  }
0xc8: {  	[hbm4b:s4+s3] =	stream.linear.scatter [tilespmem:s16], [sflag:$0x6], $0x4000, $0x38;
	[tilespmem:$0x10FA0] =	vst v63  }
0xc9: {  	_ =	swait.ge [sflag:s28], $0x4000  }
0xca: {  	[sflag:s28] =	ssyncset.done $0x0  }
0xcb: {  	s1 =	simm.s32 $0x920;
	[sflag:s28] =	ssyncadd.s32 $0xFFFFC000  }
0xcc: {  	[tilespmem:s13], [sflag:$0x1] =	stream.indirect.gather [spmem:s2], $0x80, s1, s12, $0xb8;
	[tilespmem:$0x10FA0] =	vst v63  }
0xcd: {  	_ =	swait.ge [sflag:s20], $0x4000  }
0xce: {  	[sflag:s20] =	ssyncset.done $0x0  }
0xcf: {  	s4 =	rddreg [dreg:$0x10];
	[sflag:s20] =	ssyncadd.s32 $0xFFFFC000  }
0xd0: {  	[hbm4b:s4+s3] =	stream.linear.scatter [tilespmem:s19], [sflag:$0x7], $0x4000, $0x38;
	[tilespmem:$0x10FA0] =	vst v63  }
0xd1: {  	_ =	swait.ge [sflag:s29], $0x4000  }
0xd2: {  	[sflag:s29] =	ssyncset.done $0x0  }
0xd3: {  	s1 =	simm.s32 $0x9A0;
	[sflag:s29] =	ssyncadd.s32 $0xFFFFC000  }
0xd4: {  	[tilespmem:s16], [sflag:$0x2] =	stream.indirect.gather [spmem:s2], $0x80, s1, s12, $0xb8;
	[tilespmem:$0x10FA0] =	vst v63  }
0xd5: {  	_ =	swait.ge [sflag:s23], $0x4000  }
0xd6: {  	[sflag:s23] =	ssyncset.done $0x0  }
0xd7: {  	s4 =	rddreg [dreg:$0x11];
	[sflag:s23] =	ssyncadd.s32 $0xFFFFC000  }
0xd8: {  	[hbm4b:s4+s3] =	stream.linear.scatter [tilespmem:s22], [sflag:$0x8], $0x4000, $0x38;
	[tilespmem:$0x10FA0] =	vst v63  }
0xd9: {  	_ =	swait.ge [sflag:s30], $0x4000  }
0xda: {  	[sflag:s30] =	ssyncset.done $0x0  }
0xdb: {  	s1 =	simm.s32 $0xA20;
	[sflag:s30] =	ssyncadd.s32 $0xFFFFC000  }
0xdc: {  	[tilespmem:s19], [sflag:$0x3] =	stream.indirect.gather [spmem:s2], $0x80, s1, s12, $0xb8;
	[tilespmem:$0x10FA0] =	vst v63  }
0xdd: {  	_ =	swait.ge [sflag:s14], $0x4000  }
0xde: {  	[sflag:s14] =	ssyncset.done $0x0  }
0xdf: {  	s4 =	rddreg [dreg:$0x12];
	[sflag:s14] =	ssyncadd.s32 $0xFFFFC000  }
0xe0: {  	[hbm4b:s4+s3] =	stream.linear.scatter [tilespmem:s13], [sflag:$0x5], $0x4000, $0x38;
	[tilespmem:$0x10FA0] =	vst v63  }
0xe1: {  	_ =	swait.ge [sflag:s31], $0x4000  }
0xe2: {  	[sflag:s31] =	ssyncset.done $0x0  }
0xe3: {  	s1 =	simm.s32 $0xAA0;
	[sflag:s31] =	ssyncadd.s32 $0xFFFFC000  }
0xe4: {  	[tilespmem:s22], [sflag:$0x4] =	stream.indirect.gather [spmem:s2], $0x80, s1, s12, $0xb8;
	[tilespmem:$0x10FA0] =	vst v63  }
0xe5: {  	_ =	swait.ge [sflag:s17], $0x4000  }
0xe6: {  	[sflag:s17] =	ssyncset.done $0x0  }
0xe7: {  	s4 =	rddreg [dreg:$0x13];
	[sflag:s17] =	ssyncadd.s32 $0xFFFFC000  }
0xe8: {  	[hbm4b:s4+s3] =	stream.linear.scatter [tilespmem:s16], [sflag:$0x6], $0x4000, $0x38;
	[tilespmem:$0x10FA0] =	vst v63  }
0xe9: {  	_ =	swait.ge [sflag:s28], $0x4000  }
0xea: {  	[sflag:s28] =	ssyncset.done $0x0  }
0xeb: {  	s1 =	simm.s32 $0xB20;
	[sflag:s28] =	ssyncadd.s32 $0xFFFFC000  }
0xec: {  	[tilespmem:s13], [sflag:$0x1] =	stream.indirect.gather [spmem:s2], $0x80, s1, s12, $0xb8;
	[tilespmem:$0x10FA0] =	vst v63  }
0xed: {  	_ =	swait.ge [sflag:s20], $0x4000  }
0xee: {  	[sflag:s20] =	ssyncset.done $0x0  }
0xef: {  	s4 =	rddreg [dreg:$0x14];
	[sflag:s20] =	ssyncadd.s32 $0xFFFFC000  }
0xf0: {  	[hbm4b:s4+s3] =	stream.linear.scatter [tilespmem:s19], [sflag:$0x7], $0x4000, $0x38;
	[tilespmem:$0x10FA0] =	vst v63  }
0xf1: {  	_ =	swait.ge [sflag:s29], $0x4000  }
0xf2: {  	[sflag:s29] =	ssyncset.done $0x0  }
0xf3: {  	s1 =	simm.s32 $0xBA0;
	[sflag:s29] =	ssyncadd.s32 $0xFFFFC000  }
0xf4: {  	[tilespmem:s16], [sflag:$0x2] =	stream.indirect.gather [spmem:s2], $0x80, s1, s12, $0xb8;
	[tilespmem:$0x10FA0] =	vst v63  }
0xf5: {  	_ =	swait.ge [sflag:s23], $0x4000  }
0xf6: {  	[sflag:s23] =	ssyncset.done $0x0  }
0xf7: {  	s4 =	rddreg [dreg:$0x15];
	[sflag:s23] =	ssyncadd.s32 $0xFFFFC000  }
0xf8: {  	[hbm4b:s4+s3] =	stream.linear.scatter [tilespmem:s22], [sflag:$0x8], $0x4000, $0x38;
	[tilespmem:$0x10FA0] =	vst v63  }
0xf9: {  	_ =	swait.ge [sflag:s30], $0x4000  }
0xfa: {  	[sflag:s30] =	ssyncset.done $0x0  }
0xfb: {  	s1 =	simm.s32 $0xC20;
	[sflag:s30] =	ssyncadd.s32 $0xFFFFC000  }
0xfc: {  	[tilespmem:s19], [sflag:$0x3] =	stream.indirect.gather [spmem:s2], $0x80, s1, s12, $0xb8;
	[tilespmem:$0x10FA0] =	vst v63  }
0xfd: {  	_ =	swait.ge [sflag:s14], $0x4000  }
0xfe: {  	[sflag:s14] =	ssyncset.done $0x0  }
0xff: {  	s4 =	rddreg [dreg:$0x16];
	[sflag:s14] =	ssyncadd.s32 $0xFFFFC000  }
0x100: {  	[hbm4b:s4+s3] =	stream.linear.scatter [tilespmem:s13], [sflag:$0x5], $0x4000, $0x38;
	[tilespmem:$0x10FA0] =	vst v63  }
0x101: {  	_ =	swait.ge [sflag:s31], $0x4000  }
0x102: {  	[sflag:s31] =	ssyncset.done $0x0  }
0x103: {  	s1 =	simm.s32 $0xCA0;
	[sflag:s31] =	ssyncadd.s32 $0xFFFFC000  }
0x104: {  	[tilespmem:s22], [sflag:$0x4] =	stream.indirect.gather [spmem:s2], $0x80, s1, s12, $0xb8;
	[tilespmem:$0x10FA0] =	vst v63  }
0x105: {  	_ =	swait.ge [sflag:s17], $0x4000  }
0x106: {  	[sflag:s17] =	ssyncset.done $0x0  }
0x107: {  	s4 =	rddreg [dreg:$0x17];
	[sflag:s17] =	ssyncadd.s32 $0xFFFFC000  }
0x108: {  	[hbm4b:s4+s3] =	stream.linear.scatter [tilespmem:s16], [sflag:$0x6], $0x4000, $0x38;
	[tilespmem:$0x10FA0] =	vst v63  }
0x109: {  	_ =	swait.ge [sflag:s28], $0x4000  }
0x10a: {  	[sflag:s28] =	ssyncset.done $0x0  }
0x10b: {  	s1 =	simm.s32 $0xD20;
	[sflag:s28] =	ssyncadd.s32 $0xFFFFC000  }
0x10c: {  	[tilespmem:s13], [sflag:$0x1] =	stream.indirect.gather [spmem:s2], $0x80, s1, s12, $0xb8;
	[tilespmem:$0x10FA0] =	vst v63  }
0x10d: {  	_ =	swait.ge [sflag:s20], $0x4000  }
0x10e: {  	[sflag:s20] =	ssyncset.done $0x0  }
0x10f: {  	s4 =	rddreg [dreg:$0x18];
	[sflag:s20] =	ssyncadd.s32 $0xFFFFC000  }
0x110: {  	[hbm4b:s4+s3] =	stream.linear.scatter [tilespmem:s19], [sflag:$0x7], $0x4000, $0x38;
	[tilespmem:$0x10FA0] =	vst v63  }
0x111: {  	_ =	swait.ge [sflag:s29], $0x4000  }
0x112: {  	[sflag:s29] =	ssyncset.done $0x0  }
0x113: {  	s1 =	simm.s32 $0xDA0;
	[sflag:s29] =	ssyncadd.s32 $0xFFFFC000  }
0x114: {  	[tilespmem:s16], [sflag:$0x2] =	stream.indirect.gather [spmem:s2], $0x80, s1, s12, $0xb8;
	[tilespmem:$0x10FA0] =	vst v63  }
0x115: {  	_ =	swait.ge [sflag:s23], $0x4000  }
0x116: {  	[sflag:s23] =	ssyncset.done $0x0  }
0x117: {  	s4 =	rddreg [dreg:$0x19];
	[sflag:s23] =	ssyncadd.s32 $0xFFFFC000  }
0x118: {  	[hbm4b:s4+s3] =	stream.linear.scatter [tilespmem:s22], [sflag:$0x8], $0x4000, $0x38;
	[tilespmem:$0x10FA0] =	vst v63  }
0x119: {  	_ =	swait.ge [sflag:s30], $0x4000  }
0x11a: {  	[sflag:s30] =	ssyncset.done $0x0  }
0x11b: {  	s1 =	simm.s32 $0xE20;
	[sflag:s30] =	ssyncadd.s32 $0xFFFFC000  }
0x11c: {  	[tilespmem:s19], [sflag:$0x3] =	stream.indirect.gather [spmem:s2], $0x80, s1, s12, $0xb8;
	[tilespmem:$0x10FA0] =	vst v63  }
0x11d: {  	_ =	swait.ge [sflag:s14], $0x4000  }
0x11e: {  	[sflag:s14] =	ssyncset.done $0x0  }
0x11f: {  	s4 =	rddreg [dreg:$0x1a];
	[sflag:s14] =	ssyncadd.s32 $0xFFFFC000  }
0x120: {  	[hbm4b:s4+s3] =	stream.linear.scatter [tilespmem:s13], [sflag:$0x5], $0x4000, $0x38;
	[tilespmem:$0x10FA0] =	vst v63  }
0x121: {  	_ =	swait.ge [sflag:s31], $0x4000  }
0x122: {  	[sflag:s31] =	ssyncset.done $0x0  }
0x123: {  	s1 =	simm.s32 $0xEA0;
	[sflag:s31] =	ssyncadd.s32 $0xFFFFC000  }
0x124: {  	[tilespmem:s22], [sflag:$0x4] =	stream.indirect.gather [spmem:s2], $0x80, s1, s12, $0xb8;
	[tilespmem:$0x10FA0] =	vst v63  }
0x125: {  	_ =	swait.ge [sflag:s17], $0x4000  }
0x126: {  	[sflag:s17] =	ssyncset.done $0x0  }
0x127: {  	s4 =	rddreg [dreg:$0x1b];
	[sflag:s17] =	ssyncadd.s32 $0xFFFFC000  }
0x128: {  	[hbm4b:s4+s3] =	stream.linear.scatter [tilespmem:s16], [sflag:$0x6], $0x4000, $0x38;
	[tilespmem:$0x10FA0] =	vst v63  }
0x129: {  	_ =	swait.ge [sflag:s28], $0x4000  }
0x12a: {  	[sflag:s28] =	ssyncset.done $0x0  }
0x12b: {  	s1 =	simm.s32 $0xF20;
	[sflag:s28] =	ssyncadd.s32 $0xFFFFC000  }
0x12c: {  	[tilespmem:s13], [sflag:$0x1] =	stream.indirect.gather [spmem:s2], $0x80, s1, s12, $0xb8;
	[tilespmem:$0x10FA0] =	vst v63  }
0x12d: {  	_ =	swait.ge [sflag:s20], $0x4000  }
0x12e: {  	[sflag:s20] =	ssyncset.done $0x0  }
0x12f: {  	s4 =	rddreg [dreg:$0x1c];
	[sflag:s20] =	ssyncadd.s32 $0xFFFFC000  }
0x130: {  	[hbm4b:s4+s3] =	stream.linear.scatter [tilespmem:s19], [sflag:$0x7], $0x4000, $0x38;
	[tilespmem:$0x10FA0] =	vst v63  }
0x131: {  	_ =	swait.ge [sflag:s23], $0x4000  }
0x132: {  	[sflag:s23] =	ssyncset.done $0x0  }
0x133: {  	s1 =	rddreg [dreg:$0x1d];
	[sflag:s23] =	ssyncadd.s32 $0xFFFFC000  }
0x134: {  	[hbm4b:s1+s3] =	stream.linear.scatter [tilespmem:s22], [sflag:$0x8], $0x4000, $0x38;
	[tilespmem:$0x10FA0] =	vst v63  }
0x135: {  	_ =	swait.ge [sflag:s14], $0x4000  }
0x136: {  	[sflag:s14] =	ssyncset.done $0x0  }
0x137: {  	s4 =	rddreg [dreg:$0x1e];
	[sflag:s14] =	ssyncadd.s32 $0xFFFFC000  }
0x138: {  	[hbm4b:s4+s3] =	stream.linear.scatter [tilespmem:s13], [sflag:$0x5], $0x4000, $0x38;
	[tilespmem:$0x10FA0] =	vst v63  }
0x139: {  	_ =	swait.ge [sflag:s28], $0x4000  }
0x13a: {  	[sflag:s28] =	ssyncset.done $0x0  }
0x13b: {  	[sflag:s28] =	ssyncadd.s32 $0xFFFFC000  }
0x13c: {  	_ =	swait.ge [sflag:s29], $0x4000  }
0x13d: {  	[sflag:s29] =	ssyncset.done $0x0  }
0x13e: {  	[sflag:s29] =	ssyncadd.s32 $0xFFFFC000  }
0x13f: {  	_ =	swait.ge [sflag:s30], $0x4000  }
.Ltmp3:
0x140: {  	[sflag:s30] =	ssyncset.done $0x0;
	(pc) =	sbr.rel .LBB2_4-.Ltmp3, $4  }
0x141: {  	[sflag:s30] =	ssyncadd.s32 $0xFFFFC000  }
0x142: {  	_ =	swait.ge [sflag:s31], $0x4000  }
0x143: {  	[sflag:s31] =	ssyncset.done $0x0  }
0x144: {  	[sflag:s31] =	ssyncadd.s32 $0xFFFFC000  }
.LBB2_5:
0x145: {  	_ =	sfence.sel $0x180000  }
0x146: {  	[bflag:$0x0] =	sbarrier.arrive $0xFFFF  }
0x147: {  	_ =	strace $0x90000047  }
0x148: {  	[bflag:$0x2] =	sbarrier.arrive $0xFFFF  }
0x149: {  	s0 =	rddreg [dreg:$0x4]  }
0x14a: {  	s0 =	sadd.s32 @!p0 $0x100000, s0  }
0x14b: {  	[sflag:s0] =	ssyncadd.tile.s32 @!p0 $0x1;
	_ =	shalt  }
.Lfunc_end2:
_tile_overlayer_lowered:
.L_overlay_start_2:
0x14c: {  	(tag) =	ssettag $0x2  }
0x14d: {  	s0 =	rddreg [dreg:$0x0];
	s2 =	stileid.u32  }
0x14e: {  	s1 =	rddreg [dreg:$0x1];
	p0 =	sne.s32 s2, $0x0  }
0x14f: {  	s3 =	rddreg [dreg:$0x2];
	[bflag:$0x3] =	sbarrier.arrive $0xFFFF;
	s2 =	simm.s32 @!p0 $0x1C09  }
0x150: {  	[timem:s3], [sflag:s2] =	dma.local @!p0 [hbm:s0], s1  }
0x151: {  	s0 =	simm.s32 @!p0 $0x9  }
0x152: {  	_ =	swait.ge @!p0 [sflag:s0], s1  }
0x153: {  	s1 =	ssub.s32 @!p0 $0x0, s1;
	[sflag:s0] =	ssyncset.done @!p0 $0x0  }
0x154: {  	[sflag:s0] =	ssyncadd.s32 @!p0 s1  }
0x155: {  	[bflag:$0x3] =	sbarrier.arrive $0xFFFF  }
0x156: {  	_ =	shalt  }

</sc_bundles>
